<compile_context>
chip_gen: v7x
topology: tpu7x:2x2x1
jax: 0.10.2.dev20260603
libtpu: 0.0.44.dev20260713+nightly
codegen_flags: <defaults>
</compile_context>

<pallas_src>
import jax
import jax.numpy as jnp
from jax import lax
from jax.experimental import pallas as pl
from jax.experimental.pallas import tpu as pltpu
from jax.experimental.pallas import tpu_sc as plsc

SEQ = 200
DIM = 32
VOCAB = 1000000
BATCH = 4096
B_TOTAL = BATCH * SEQ
NC, NS = 2, 16
NW = NC * NS
BLK = 128
N_BLOCKS = B_TOTAL // BLK
BPW = N_BLOCKS // NW
TB = BATCH // BLK
TD = DIM // 8
LANES = 16
NBUF = 4


def _body(idx_hbm, word_hbm, pos_hbm, out_hbm,
          idx_v, pos_v, rows_v, out_t, gsem, osem):
    cid = lax.axis_index("c")
    sid = lax.axis_index("s")
    wid = sid * NC + cid
    blk0 = wid * BPW

    pltpu.sync_copy(idx_hbm.at[pl.ds(blk0, BPW)], idx_v)
    pltpu.sync_copy(pos_hbm, pos_v)

    def gather(blk, buf):
        pltpu.async_copy(word_hbm.at[idx_v.at[blk]], rows_v.at[buf],
                         gsem.at[buf])

    def gather_wait(blk, buf):
        pltpu.make_async_copy(word_hbm.at[idx_v.at[blk]], rows_v.at[buf],
                              gsem.at[buf]).wait()

    def out_write(gblk, buf):
        s = lax.shift_right_logical(gblk, 5)
        tb = lax.bitwise_and(gblk, TB - 1)
        for td in range(TD):
            pltpu.async_copy(out_t.at[buf, pl.ds(td * 8, 8), pl.ds(0, BLK)],
                             out_hbm.at[s, td, tb], osem.at[buf])

    def out_drain(buf):
        for td in range(TD):
            pltpu.make_async_copy(out_t.at[buf, pl.ds(td * 8, 8),
                                           pl.ds(0, BLK)],
                                  out_hbm.at[0, td, 0], osem.at[buf]).wait()

    iota = lax.broadcasted_iota(jnp.int32, (LANES,), 0)
    iota_hi = iota + LANES

    for p in range(NBUF - 1):
        gather(p, p)

    @pl.loop(0, BPW)
    def _blocks(blk):
        buf = lax.bitwise_and(blk, NBUF - 1)

        gather_wait(blk, buf)

        @pl.when(blk >= NBUF)
        def _():
            out_drain(buf)

        gblk = blk0 + blk
        s = lax.shift_right_logical(gblk, 5)
        pv0 = pos_v[s, pl.ds(0, LANES)]
        pv1 = pos_v[s, pl.ds(LANES, LANES)]

        @pl.loop(0, BLK)
        def _b(b):
            bvec = jnp.broadcast_to(b, (LANES,))
            ot = out_t.at[buf]
            plsc.store_scatter(ot, [iota, bvec],
                               rows_v[buf, b, pl.ds(0, LANES)] + pv0)
            plsc.store_scatter(ot, [iota_hi, bvec],
                               rows_v[buf, b, pl.ds(LANES, LANES)] + pv1)

        out_write(gblk, buf)

        @pl.when(blk + NBUF - 1 < BPW)
        def _():
            nblk = blk + NBUF - 1
            gather(nblk, lax.bitwise_and(nblk, NBUF - 1))

    for db in range(NBUF):
        out_drain(jnp.int32(db))


_mesh = plsc.VectorSubcoreMesh(core_axis_name="c", subcore_axis_name="s")

_sc_call = pl.kernel(
    _body,
    out_type=jax.ShapeDtypeStruct((SEQ, TD, TB, 8, BLK), jnp.float32),
    mesh=_mesh,
    scratch_types=[
        pltpu.VMEM((BPW, BLK), jnp.int32),
        pltpu.VMEM((SEQ, DIM), jnp.float32),
        pltpu.VMEM((NBUF, BLK, DIM), jnp.float32),
        pltpu.VMEM((NBUF, DIM, BLK + 1), jnp.float32),
        pltpu.SemaphoreType.DMA((NBUF,)),
        pltpu.SemaphoreType.DMA((NBUF,)),
    ],
    compiler_params=pltpu.CompilerParams(use_tc_tiling_on_sc=False,
                                         needs_layout_passes=False),
)


@jax.jit
def kernel(inputs, word_table, pos_table):
    idx = (inputs.astype(jnp.int32) * 4).T.reshape(N_BLOCKS, BLK)
    word_pad = jnp.pad(word_table, ((0, 0), (0, 96))).reshape(4 * VOCAB, DIM)
    out5 = _sc_call(idx, word_pad, pos_table)
    out = out5.transpose(2, 4, 0, 1, 3).reshape(BATCH, SEQ, DIM)
    return out

# --- scband reference (transcript-rebuilt; emitter-appended) ---
"""Pipeline reference for scband-position-embedding-layer-38311108280895 (READ-ONLY COPY).

The authoritative reference and input builder live on the scoring server;
editing this copy changes nothing except your own understanding.
"""

import jax, jax.numpy as jnp
import numpy as np

SEQ_LEN = 200
VOCAB = 1000000
DIM = 32
BATCH = 4096

def setup_inputs(seed: int = 0) -> dict:
    key = jax.random.key(seed)
    k1, k2, k3 = jax.random.split(key, 3)
    inputs = jax.random.randint(k1, (BATCH, SEQ_LEN), 0, VOCAB, dtype=jnp.int64 if jax.config.jax_enable_x64 else jnp.int32)
    word_table = jax.random.normal(k2, (VOCAB, DIM), dtype=jnp.float32) * 0.02
    pos_table = jax.random.normal(k3, (SEQ_LEN, DIM), dtype=jnp.float32) * 0.02
    return {"inputs": inputs, "word_table": word_table, "pos_table": pos_table}

def reference(inputs, word_table, pos_table):
    # word embedding: gather rows from word_table
    embedded_words = jnp.take(word_table, inputs, axis=0)  # [B, S, D]
    # position embedding: arange over last dim of inputs
    position_indices = jnp.arange(inputs.shape[-1])
    embedded_indices = jnp.take(pos_table, position_indices, axis=0)  # [S, D]
    return embedded_words + embedded_indices[None, :, :]

if __name__ == "__main__":
    import jax
    _d = setup_inputs()
    print(jax.jit(kernel)(*tuple(_d.values())))

</pallas_src>

<mosaic_0001>
#map = affine_map<(d0, d1) -> (0, 0)>
#map1 = affine_map<(d0, d1) -> (0, 0, 0, 0, 0)>
module attributes {stable_mosaic.version = 14 : i64} {
  func.func @_body(%arg0: i32, %arg1: i32, %arg2: memref<6400x128xi32, #tpu.memory_space<hbm>>, %arg3: memref<4000000x32xf32, #tpu.memory_space<hbm>>, %arg4: memref<200x32xf32, #tpu.memory_space<hbm>>, %arg5: memref<200x4x32x8x128xf32, #tpu.memory_space<hbm>>, %arg6: memref<200x128xi32, #tpu.memory_space<vmem>>, %arg7: memref<200x32xf32, #tpu.memory_space<vmem>>, %arg8: memref<4x128x32xf32, #tpu.memory_space<vmem>>, %arg9: memref<4x32x129xf32, #tpu.memory_space<vmem>>, %arg10: memref<4x!tpu.dma_semaphore, #tpu.memory_space<semaphore_mem>>, %arg11: memref<4x!tpu.dma_semaphore, #tpu.memory_space<semaphore_mem>>) attributes {dimension_semantics = [#tpu.dimension_semantics<core_parallel>, #tpu.dimension_semantics<subcore_parallel>], iteration_bounds = array<i64: 2, 16>, scalar_prefetch = 0 : i64, scratch_operands = 6 : i64, tpu.core_type = #tpu.core_type<sc_vector_subcore>, window_params = [{transform_indices = #map}, {transform_indices = #map}, {transform_indices = #map}, {transform_indices = #map1}]} {
    %mul3A = arith.constant 2 : i32
    %mul3A_0 = arith.muli %arg1, %mul3A : i32
    %add3A = arith.addi %mul3A_0, %arg0 : i32
    %mul3A_1 = arith.constant 200 : i32
    %mul3A_2 = arith.muli %add3A, %mul3A_1 : i32
    "tpu.region"() ({
      %run_scoped3A = tpu.sem_alloc : memref<!tpu.dma_semaphore, #tpu.memory_space<semaphore_mem>>
      %dma_start3A_421 = arith.constant 0 : i32
      %dma_start3A_422 = tpu.memref_slice %arg2[%mul3A_2, %dma_start3A_421] : memref<6400x128xi32, #tpu.memory_space<hbm>> -> memref<200x128xi32, #tpu.memory_space<hbm>>
      %dma_start3A_423 = arith.constant 0 : i32
      %dma_start3A_424 = tpu.memref_slice %arg2[%mul3A_2, %dma_start3A_423] : memref<6400x128xi32, #tpu.memory_space<hbm>> -> memref<200x128xi32, #tpu.memory_space<hbm>>
      tpu.enqueue_dma source(%dma_start3A_424 : memref<200x128xi32, #tpu.memory_space<hbm>>) target(%arg6 : memref<200x128xi32, #tpu.memory_space<vmem>>) target_semaphore(%run_scoped3A : memref<!tpu.dma_semaphore, #tpu.memory_space<semaphore_mem>>)
      %dma_wait3A_425 = arith.constant 0 : i32
      %dma_wait3A_426 = tpu.memref_slice %arg2[%mul3A_2, %dma_wait3A_425] : memref<6400x128xi32, #tpu.memory_space<hbm>> -> memref<200x128xi32, #tpu.memory_space<hbm>>
      %dma_wait3A_427 = arith.constant 0 : i32
      %dma_wait3A_428 = tpu.memref_slice %arg2[%mul3A_2, %dma_wait3A_427] : memref<6400x128xi32, #tpu.memory_space<hbm>> -> memref<200x128xi32, #tpu.memory_space<hbm>>
      tpu.wait_dma2 semaphore(%run_scoped3A : memref<!tpu.dma_semaphore, #tpu.memory_space<semaphore_mem>>) src(%dma_wait3A_428 : memref<200x128xi32, #tpu.memory_space<hbm>>) dst(%arg6 : memref<200x128xi32, #tpu.memory_space<vmem>>)
      tpu.yield
    }) : () -> ()
    "tpu.region"() ({
      %run_scoped3A = tpu.sem_alloc : memref<!tpu.dma_semaphore, #tpu.memory_space<semaphore_mem>>
      tpu.enqueue_dma source(%arg4 : memref<200x32xf32, #tpu.memory_space<hbm>>) target(%arg7 : memref<200x32xf32, #tpu.memory_space<vmem>>) target_semaphore(%run_scoped3A : memref<!tpu.dma_semaphore, #tpu.memory_space<semaphore_mem>>)
      tpu.wait_dma2 semaphore(%run_scoped3A : memref<!tpu.dma_semaphore, #tpu.memory_space<semaphore_mem>>) src(%arg4 : memref<200x32xf32, #tpu.memory_space<hbm>>) dst(%arg7 : memref<200x32xf32, #tpu.memory_space<vmem>>)
      tpu.yield
    }) : () -> ()
    %iota3A = tpu.iota {dimensions = array<i32: 0>} : vector<16xi32>
    %add3A_3 = arith.constant 16 : i32
    %add3A_4 = vector.broadcast %add3A_3 : i32 to vector<16xi32>
    %add3A_5 = arith.addi %iota3A, %add3A_4 : vector<16xi32>
    %dma_start3A = arith.constant 0 : i32
    %dma_start3A_6 = arith.constant 0 : i32
    %dma_start3A_7 = arith.constant 0 : i32
    %dma_start3A_8 = arith.constant 0 : i32
    %dma_start3A_9 = arith.constant 0 : i32
    %dma_start3A_10 = tpu.memref_slice %arg8[%dma_start3A_6, %dma_start3A_8, %dma_start3A_9] : memref<4x128x32xf32, #tpu.memory_space<vmem>> -> memref<1x128x32xf32, #tpu.memory_space<vmem>>
    %dma_start3A_11 = tpu.memref_squeeze %dma_start3A_10 : memref<1x128x32xf32, #tpu.memory_space<vmem>> -> memref<128x32xf32, #tpu.memory_space<vmem>>
    %dma_start3A_12 = arith.constant 0 : i32
    %dma_start3A_13 = tpu.memref_slice %arg6[%dma_start3A, %dma_start3A_12] : memref<200x128xi32, #tpu.memory_space<vmem>> -> memref<1x128xi32, #tpu.memory_space<vmem>>
    %dma_start3A_14 = tpu.memref_squeeze %dma_start3A_13 : memref<1x128xi32, #tpu.memory_space<vmem>> -> memref<128xi32, #tpu.memory_space<vmem>>
    %dma_start3A_15 = arith.constant 0 : i32
    %dma_start3A_16 = arith.constant 0 : i32
    %dma_start3A_17 = tpu.memref_slice %arg3[%dma_start3A_15, %dma_start3A_16] : memref<4000000x32xf32, #tpu.memory_space<hbm>> -> memref<4000000x32xf32, #tpu.memory_space<hbm>>
    %dma_start3A_18 = tpu.memref_slice %arg10[%dma_start3A_7] : memref<4x!tpu.dma_semaphore, #tpu.memory_space<semaphore_mem>> -> memref<1x!tpu.dma_semaphore, #tpu.memory_space<semaphore_mem>>
    %dma_start3A_19 = tpu.memref_squeeze %dma_start3A_18 : memref<1x!tpu.dma_semaphore, #tpu.memory_space<semaphore_mem>> -> memref<!tpu.dma_semaphore, #tpu.memory_space<semaphore_mem>>
    tpu.enqueue_indirect_dma source(%dma_start3A_17 : memref<4000000x32xf32, #tpu.memory_space<hbm>>) target(%dma_start3A_11 : memref<128x32xf32, #tpu.memory_space<vmem>>) offsets(%dma_start3A_14 : memref<128xi32, #tpu.memory_space<vmem>>) semaphore(%dma_start3A_19 : memref<!tpu.dma_semaphore, #tpu.memory_space<semaphore_mem>>)
    %dma_start3A_20 = arith.constant 1 : i32
    %dma_start3A_21 = arith.constant 1 : i32
    %dma_start3A_22 = arith.constant 1 : i32
    %dma_start3A_23 = arith.constant 0 : i32
    %dma_start3A_24 = arith.constant 0 : i32
    %dma_start3A_25 = tpu.memref_slice %arg8[%dma_start3A_21, %dma_start3A_23, %dma_start3A_24] : memref<4x128x32xf32, #tpu.memory_space<vmem>> -> memref<1x128x32xf32, #tpu.memory_space<vmem>>
    %dma_start3A_26 = tpu.memref_squeeze %dma_start3A_25 : memref<1x128x32xf32, #tpu.memory_space<vmem>> -> memref<128x32xf32, #tpu.memory_space<vmem>>
    %dma_start3A_27 = arith.constant 0 : i32
    %dma_start3A_28 = tpu.memref_slice %arg6[%dma_start3A_20, %dma_start3A_27] : memref<200x128xi32, #tpu.memory_space<vmem>> -> memref<1x128xi32, #tpu.memory_space<vmem>>
    %dma_start3A_29 = tpu.memref_squeeze %dma_start3A_28 : memref<1x128xi32, #tpu.memory_space<vmem>> -> memref<128xi32, #tpu.memory_space<vmem>>
    %dma_start3A_30 = arith.constant 0 : i32
    %dma_start3A_31 = arith.constant 0 : i32
    %dma_start3A_32 = tpu.memref_slice %arg3[%dma_start3A_30, %dma_start3A_31] : memref<4000000x32xf32, #tpu.memory_space<hbm>> -> memref<4000000x32xf32, #tpu.memory_space<hbm>>
    %dma_start3A_33 = tpu.memref_slice %arg10[%dma_start3A_22] : memref<4x!tpu.dma_semaphore, #tpu.memory_space<semaphore_mem>> -> memref<1x!tpu.dma_semaphore, #tpu.memory_space<semaphore_mem>>
    %dma_start3A_34 = tpu.memref_squeeze %dma_start3A_33 : memref<1x!tpu.dma_semaphore, #tpu.memory_space<semaphore_mem>> -> memref<!tpu.dma_semaphore, #tpu.memory_space<semaphore_mem>>
    tpu.enqueue_indirect_dma source(%dma_start3A_32 : memref<4000000x32xf32, #tpu.memory_space<hbm>>) target(%dma_start3A_26 : memref<128x32xf32, #tpu.memory_space<vmem>>) offsets(%dma_start3A_29 : memref<128xi32, #tpu.memory_space<vmem>>) semaphore(%dma_start3A_34 : memref<!tpu.dma_semaphore, #tpu.memory_space<semaphore_mem>>)
    %dma_start3A_35 = arith.constant 2 : i32
    %dma_start3A_36 = arith.constant 2 : i32
    %dma_start3A_37 = arith.constant 2 : i32
    %dma_start3A_38 = arith.constant 0 : i32
    %dma_start3A_39 = arith.constant 0 : i32
    %dma_start3A_40 = tpu.memref_slice %arg8[%dma_start3A_36, %dma_start3A_38, %dma_start3A_39] : memref<4x128x32xf32, #tpu.memory_space<vmem>> -> memref<1x128x32xf32, #tpu.memory_space<vmem>>
    %dma_start3A_41 = tpu.memref_squeeze %dma_start3A_40 : memref<1x128x32xf32, #tpu.memory_space<vmem>> -> memref<128x32xf32, #tpu.memory_space<vmem>>
    %dma_start3A_42 = arith.constant 0 : i32
    %dma_start3A_43 = tpu.memref_slice %arg6[%dma_start3A_35, %dma_start3A_42] : memref<200x128xi32, #tpu.memory_space<vmem>> -> memref<1x128xi32, #tpu.memory_space<vmem>>
    %dma_start3A_44 = tpu.memref_squeeze %dma_start3A_43 : memref<1x128xi32, #tpu.memory_space<vmem>> -> memref<128xi32, #tpu.memory_space<vmem>>
    %dma_start3A_45 = arith.constant 0 : i32
    %dma_start3A_46 = arith.constant 0 : i32
    %dma_start3A_47 = tpu.memref_slice %arg3[%dma_start3A_45, %dma_start3A_46] : memref<4000000x32xf32, #tpu.memory_space<hbm>> -> memref<4000000x32xf32, #tpu.memory_space<hbm>>
    %dma_start3A_48 = tpu.memref_slice %arg10[%dma_start3A_37] : memref<4x!tpu.dma_semaphore, #tpu.memory_space<semaphore_mem>> -> memref<1x!tpu.dma_semaphore, #tpu.memory_space<semaphore_mem>>
    %dma_start3A_49 = tpu.memref_squeeze %dma_start3A_48 : memref<1x!tpu.dma_semaphore, #tpu.memory_space<semaphore_mem>> -> memref<!tpu.dma_semaphore, #tpu.memory_space<semaphore_mem>>
    tpu.enqueue_indirect_dma source(%dma_start3A_47 : memref<4000000x32xf32, #tpu.memory_space<hbm>>) target(%dma_start3A_41 : memref<128x32xf32, #tpu.memory_space<vmem>>) offsets(%dma_start3A_44 : memref<128xi32, #tpu.memory_space<vmem>>) semaphore(%dma_start3A_49 : memref<!tpu.dma_semaphore, #tpu.memory_space<semaphore_mem>>)
    %scan3A = arith.constant 0 : i32
    %scan3A_50 = arith.constant 200 : i32
    %scan3A_51 = arith.addi %scan3A, %scan3A_50 : i32
    %scan3A_52 = arith.constant 1 : i32
    scf.for %scan3A_421 = %scan3A to %scan3A_51 step %scan3A_52  : i32 {
      %mul3A_422 = arith.constant 1 : i32
      %mul3A_423 = arith.muli %scan3A_421, %mul3A_422 : i32
      %add3A_424 = arith.constant 0 : i32
      %add3A_425 = arith.addi %add3A_424, %mul3A_423 : i32
      %and3A = arith.constant 3 : i32
      %and3A_426 = arith.andi %add3A_425, %and3A : i32
      %dma_wait3A_427 = arith.constant 0 : i32
      %dma_wait3A_428 = arith.constant 0 : i32
      %dma_wait3A_429 = tpu.memref_slice %arg8[%and3A_426, %dma_wait3A_427, %dma_wait3A_428] : memref<4x128x32xf32, #tpu.memory_space<vmem>> -> memref<1x128x32xf32, #tpu.memory_space<vmem>>
      %dma_wait3A_430 = tpu.memref_squeeze %dma_wait3A_429 : memref<1x128x32xf32, #tpu.memory_space<vmem>> -> memref<128x32xf32, #tpu.memory_space<vmem>>
      %dma_wait3A_431 = arith.constant 0 : i32
      %dma_wait3A_432 = tpu.memref_slice %arg6[%add3A_425, %dma_wait3A_431] : memref<200x128xi32, #tpu.memory_space<vmem>> -> memref<1x128xi32, #tpu.memory_space<vmem>>
      %dma_wait3A_433 = tpu.memref_squeeze %dma_wait3A_432 : memref<1x128xi32, #tpu.memory_space<vmem>> -> memref<128xi32, #tpu.memory_space<vmem>>
      %dma_wait3A_434 = arith.constant 0 : i32
      %dma_wait3A_435 = arith.constant 0 : i32
      %dma_wait3A_436 = tpu.memref_slice %arg3[%dma_wait3A_434, %dma_wait3A_435] : memref<4000000x32xf32, #tpu.memory_space<hbm>> -> memref<4000000x32xf32, #tpu.memory_space<hbm>>
      %dma_wait3A_437 = tpu.memref_slice %arg10[%and3A_426] : memref<4x!tpu.dma_semaphore, #tpu.memory_space<semaphore_mem>> -> memref<1x!tpu.dma_semaphore, #tpu.memory_space<semaphore_mem>>
      %dma_wait3A_438 = tpu.memref_squeeze %dma_wait3A_437 : memref<1x!tpu.dma_semaphore, #tpu.memory_space<semaphore_mem>> -> memref<!tpu.dma_semaphore, #tpu.memory_space<semaphore_mem>>
      tpu.wait_indirect_dma semaphore(%dma_wait3A_438 : memref<!tpu.dma_semaphore, #tpu.memory_space<semaphore_mem>>) src(%dma_wait3A_436 : memref<4000000x32xf32, #tpu.memory_space<hbm>>) dst(%dma_wait3A_430 : memref<128x32xf32, #tpu.memory_space<vmem>>)
      %ge3A = arith.constant 4 : i32
      %ge3A_439 = arith.cmpi sge, %add3A_425, %ge3A : i32
      %convert_element_type3A = arith.extui %ge3A_439 : i1 to i32
      %cond3A = arith.constant 0 : i32
      %cond3A_440 = arith.cmpi ne, %convert_element_type3A, %cond3A : i32
      scf.if %cond3A_440 {
        %dma_wait3A_540 = arith.constant 0 : i32
        %dma_wait3A_541 = arith.constant 0 : i32
        %dma_wait3A_542 = arith.constant 0 : i32
        %dma_wait3A_543 = arith.constant 0 : i32
        %dma_wait3A_544 = arith.constant 0 : i32
        %dma_wait3A_545 = tpu.memref_slice %arg9[%and3A_426, %dma_wait3A_543, %dma_wait3A_544] : memref<4x32x129xf32, #tpu.memory_space<vmem>> -> memref<1x8x128xf32, #tpu.memory_space<vmem>>
        %dma_wait3A_546 = tpu.memref_squeeze %dma_wait3A_545 : memref<1x8x128xf32, #tpu.memory_space<vmem>> -> memref<8x128xf32, #tpu.memory_space<vmem>>
        %dma_wait3A_547 = arith.constant 0 : i32
        %dma_wait3A_548 = arith.constant 0 : i32
        %dma_wait3A_549 = tpu.memref_slice %arg5[%dma_wait3A_540, %dma_wait3A_541, %dma_wait3A_542, %dma_wait3A_547, %dma_wait3A_548] : memref<200x4x32x8x128xf32, #tpu.memory_space<hbm>> -> memref<1x1x1x8x128xf32, #tpu.memory_space<hbm>>
        %dma_wait3A_550 = tpu.memref_squeeze %dma_wait3A_549 : memref<1x1x1x8x128xf32, #tpu.memory_space<hbm>> -> memref<8x128xf32, #tpu.memory_space<hbm>>
        %dma_wait3A_551 = tpu.memref_slice %arg11[%and3A_426] : memref<4x!tpu.dma_semaphore, #tpu.memory_space<semaphore_mem>> -> memref<1x!tpu.dma_semaphore, #tpu.memory_space<semaphore_mem>>
        %dma_wait3A_552 = tpu.memref_squeeze %dma_wait3A_551 : memref<1x!tpu.dma_semaphore, #tpu.memory_space<semaphore_mem>> -> memref<!tpu.dma_semaphore, #tpu.memory_space<semaphore_mem>>
        %dma_wait3A_553 = arith.constant 0 : i32
        %dma_wait3A_554 = arith.constant 0 : i32
        %dma_wait3A_555 = tpu.memref_slice %arg5[%dma_wait3A_540, %dma_wait3A_541, %dma_wait3A_542, %dma_wait3A_553, %dma_wait3A_554] : memref<200x4x32x8x128xf32, #tpu.memory_space<hbm>> -> memref<1x1x1x8x128xf32, #tpu.memory_space<hbm>>
        %dma_wait3A_556 = tpu.memref_squeeze %dma_wait3A_555 : memref<1x1x1x8x128xf32, #tpu.memory_space<hbm>> -> memref<8x128xf32, #tpu.memory_space<hbm>>
        %dma_wait3A_557 = arith.constant 0 : i32
        %dma_wait3A_558 = arith.constant 0 : i32
        %dma_wait3A_559 = tpu.memref_slice %arg9[%and3A_426, %dma_wait3A_557, %dma_wait3A_558] : memref<4x32x129xf32, #tpu.memory_space<vmem>> -> memref<1x8x128xf32, #tpu.memory_space<vmem>>
        %dma_wait3A_560 = tpu.memref_squeeze %dma_wait3A_559 : memref<1x8x128xf32, #tpu.memory_space<vmem>> -> memref<8x128xf32, #tpu.memory_space<vmem>>
        tpu.wait_dma2 semaphore(%dma_wait3A_552 : memref<!tpu.dma_semaphore, #tpu.memory_space<semaphore_mem>>) src(%dma_wait3A_560 : memref<8x128xf32, #tpu.memory_space<vmem>>) dst(%dma_wait3A_556 : memref<8x128xf32, #tpu.memory_space<hbm>>)
        %dma_wait3A_561 = arith.constant 0 : i32
        %dma_wait3A_562 = arith.constant 1 : i32
        %dma_wait3A_563 = arith.constant 0 : i32
        %dma_wait3A_564 = arith.constant 8 : i32
        %dma_wait3A_565 = arith.constant 0 : i32
        %dma_wait3A_566 = tpu.memref_slice %arg9[%and3A_426, %dma_wait3A_564, %dma_wait3A_565] : memref<4x32x129xf32, #tpu.memory_space<vmem>> -> memref<1x8x128xf32, #tpu.memory_space<vmem>>
        %dma_wait3A_567 = tpu.memref_squeeze %dma_wait3A_566 : memref<1x8x128xf32, #tpu.memory_space<vmem>> -> memref<8x128xf32, #tpu.memory_space<vmem>>
        %dma_wait3A_568 = arith.constant 0 : i32
        %dma_wait3A_569 = arith.constant 0 : i32
        %dma_wait3A_570 = tpu.memref_slice %arg5[%dma_wait3A_561, %dma_wait3A_562, %dma_wait3A_563, %dma_wait3A_568, %dma_wait3A_569] : memref<200x4x32x8x128xf32, #tpu.memory_space<hbm>> -> memref<1x1x1x8x128xf32, #tpu.memory_space<hbm>>
        %dma_wait3A_571 = tpu.memref_squeeze %dma_wait3A_570 : memref<1x1x1x8x128xf32, #tpu.memory_space<hbm>> -> memref<8x128xf32, #tpu.memory_space<hbm>>
        %dma_wait3A_572 = tpu.memref_slice %arg11[%and3A_426] : memref<4x!tpu.dma_semaphore, #tpu.memory_space<semaphore_mem>> -> memref<1x!tpu.dma_semaphore, #tpu.memory_space<semaphore_mem>>
        %dma_wait3A_573 = tpu.memref_squeeze %dma_wait3A_572 : memref<1x!tpu.dma_semaphore, #tpu.memory_space<semaphore_mem>> -> memref<!tpu.dma_semaphore, #tpu.memory_space<semaphore_mem>>
        %dma_wait3A_574 = arith.constant 0 : i32
        %dma_wait3A_575 = arith.constant 0 : i32
        %dma_wait3A_576 = tpu.memref_slice %arg5[%dma_wait3A_561, %dma_wait3A_562, %dma_wait3A_563, %dma_wait3A_574, %dma_wait3A_575] : memref<200x4x32x8x128xf32, #tpu.memory_space<hbm>> -> memref<1x1x1x8x128xf32, #tpu.memory_space<hbm>>
        %dma_wait3A_577 = tpu.memref_squeeze %dma_wait3A_576 : memref<1x1x1x8x128xf32, #tpu.memory_space<hbm>> -> memref<8x128xf32, #tpu.memory_space<hbm>>
        %dma_wait3A_578 = arith.constant 8 : i32
        %dma_wait3A_579 = arith.constant 0 : i32
        %dma_wait3A_580 = tpu.memref_slice %arg9[%and3A_426, %dma_wait3A_578, %dma_wait3A_579] : memref<4x32x129xf32, #tpu.memory_space<vmem>> -> memref<1x8x128xf32, #tpu.memory_space<vmem>>
        %dma_wait3A_581 = tpu.memref_squeeze %dma_wait3A_580 : memref<1x8x128xf32, #tpu.memory_space<vmem>> -> memref<8x128xf32, #tpu.memory_space<vmem>>
        tpu.wait_dma2 semaphore(%dma_wait3A_573 : memref<!tpu.dma_semaphore, #tpu.memory_space<semaphore_mem>>) src(%dma_wait3A_581 : memref<8x128xf32, #tpu.memory_space<vmem>>) dst(%dma_wait3A_577 : memref<8x128xf32, #tpu.memory_space<hbm>>)
        %dma_wait3A_582 = arith.constant 0 : i32
        %dma_wait3A_583 = arith.constant 2 : i32
        %dma_wait3A_584 = arith.constant 0 : i32
        %dma_wait3A_585 = arith.constant 16 : i32
        %dma_wait3A_586 = arith.constant 0 : i32
        %dma_wait3A_587 = tpu.memref_slice %arg9[%and3A_426, %dma_wait3A_585, %dma_wait3A_586] : memref<4x32x129xf32, #tpu.memory_space<vmem>> -> memref<1x8x128xf32, #tpu.memory_space<vmem>>
        %dma_wait3A_588 = tpu.memref_squeeze %dma_wait3A_587 : memref<1x8x128xf32, #tpu.memory_space<vmem>> -> memref<8x128xf32, #tpu.memory_space<vmem>>
        %dma_wait3A_589 = arith.constant 0 : i32
        %dma_wait3A_590 = arith.constant 0 : i32
        %dma_wait3A_591 = tpu.memref_slice %arg5[%dma_wait3A_582, %dma_wait3A_583, %dma_wait3A_584, %dma_wait3A_589, %dma_wait3A_590] : memref<200x4x32x8x128xf32, #tpu.memory_space<hbm>> -> memref<1x1x1x8x128xf32, #tpu.memory_space<hbm>>
        %dma_wait3A_592 = tpu.memref_squeeze %dma_wait3A_591 : memref<1x1x1x8x128xf32, #tpu.memory_space<hbm>> -> memref<8x128xf32, #tpu.memory_space<hbm>>
        %dma_wait3A_593 = tpu.memref_slice %arg11[%and3A_426] : memref<4x!tpu.dma_semaphore, #tpu.memory_space<semaphore_mem>> -> memref<1x!tpu.dma_semaphore, #tpu.memory_space<semaphore_mem>>
        %dma_wait3A_594 = tpu.memref_squeeze %dma_wait3A_593 : memref<1x!tpu.dma_semaphore, #tpu.memory_space<semaphore_mem>> -> memref<!tpu.dma_semaphore, #tpu.memory_space<semaphore_mem>>
        %dma_wait3A_595 = arith.constant 0 : i32
        %dma_wait3A_596 = arith.constant 0 : i32
        %dma_wait3A_597 = tpu.memref_slice %arg5[%dma_wait3A_582, %dma_wait3A_583, %dma_wait3A_584, %dma_wait3A_595, %dma_wait3A_596] : memref<200x4x32x8x128xf32, #tpu.memory_space<hbm>> -> memref<1x1x1x8x128xf32, #tpu.memory_space<hbm>>
        %dma_wait3A_598 = tpu.memref_squeeze %dma_wait3A_597 : memref<1x1x1x8x128xf32, #tpu.memory_space<hbm>> -> memref<8x128xf32, #tpu.memory_space<hbm>>
        %dma_wait3A_599 = arith.constant 16 : i32
        %dma_wait3A_600 = arith.constant 0 : i32
        %dma_wait3A_601 = tpu.memref_slice %arg9[%and3A_426, %dma_wait3A_599, %dma_wait3A_600] : memref<4x32x129xf32, #tpu.memory_space<vmem>> -> memref<1x8x128xf32, #tpu.memory_space<vmem>>
        %dma_wait3A_602 = tpu.memref_squeeze %dma_wait3A_601 : memref<1x8x128xf32, #tpu.memory_space<vmem>> -> memref<8x128xf32, #tpu.memory_space<vmem>>
        tpu.wait_dma2 semaphore(%dma_wait3A_594 : memref<!tpu.dma_semaphore, #tpu.memory_space<semaphore_mem>>) src(%dma_wait3A_602 : memref<8x128xf32, #tpu.memory_space<vmem>>) dst(%dma_wait3A_598 : memref<8x128xf32, #tpu.memory_space<hbm>>)
        %dma_wait3A_603 = arith.constant 0 : i32
        %dma_wait3A_604 = arith.constant 3 : i32
        %dma_wait3A_605 = arith.constant 0 : i32
        %dma_wait3A_606 = arith.constant 24 : i32
        %dma_wait3A_607 = arith.constant 0 : i32
        %dma_wait3A_608 = tpu.memref_slice %arg9[%and3A_426, %dma_wait3A_606, %dma_wait3A_607] : memref<4x32x129xf32, #tpu.memory_space<vmem>> -> memref<1x8x128xf32, #tpu.memory_space<vmem>>
        %dma_wait3A_609 = tpu.memref_squeeze %dma_wait3A_608 : memref<1x8x128xf32, #tpu.memory_space<vmem>> -> memref<8x128xf32, #tpu.memory_space<vmem>>
        %dma_wait3A_610 = arith.constant 0 : i32
        %dma_wait3A_611 = arith.constant 0 : i32
        %dma_wait3A_612 = tpu.memref_slice %arg5[%dma_wait3A_603, %dma_wait3A_604, %dma_wait3A_605, %dma_wait3A_610, %dma_wait3A_611] : memref<200x4x32x8x128xf32, #tpu.memory_space<hbm>> -> memref<1x1x1x8x128xf32, #tpu.memory_space<hbm>>
        %dma_wait3A_613 = tpu.memref_squeeze %dma_wait3A_612 : memref<1x1x1x8x128xf32, #tpu.memory_space<hbm>> -> memref<8x128xf32, #tpu.memory_space<hbm>>
        %dma_wait3A_614 = tpu.memref_slice %arg11[%and3A_426] : memref<4x!tpu.dma_semaphore, #tpu.memory_space<semaphore_mem>> -> memref<1x!tpu.dma_semaphore, #tpu.memory_space<semaphore_mem>>
        %dma_wait3A_615 = tpu.memref_squeeze %dma_wait3A_614 : memref<1x!tpu.dma_semaphore, #tpu.memory_space<semaphore_mem>> -> memref<!tpu.dma_semaphore, #tpu.memory_space<semaphore_mem>>
        %dma_wait3A_616 = arith.constant 0 : i32
        %dma_wait3A_617 = arith.constant 0 : i32
        %dma_wait3A_618 = tpu.memref_slice %arg5[%dma_wait3A_603, %dma_wait3A_604, %dma_wait3A_605, %dma_wait3A_616, %dma_wait3A_617] : memref<200x4x32x8x128xf32, #tpu.memory_space<hbm>> -> memref<1x1x1x8x128xf32, #tpu.memory_space<hbm>>
        %dma_wait3A_619 = tpu.memref_squeeze %dma_wait3A_618 : memref<1x1x1x8x128xf32, #tpu.memory_space<hbm>> -> memref<8x128xf32, #tpu.memory_space<hbm>>
        %dma_wait3A_620 = arith.constant 24 : i32
        %dma_wait3A_621 = arith.constant 0 : i32
        %dma_wait3A_622 = tpu.memref_slice %arg9[%and3A_426, %dma_wait3A_620, %dma_wait3A_621] : memref<4x32x129xf32, #tpu.memory_space<vmem>> -> memref<1x8x128xf32, #tpu.memory_space<vmem>>
        %dma_wait3A_623 = tpu.memref_squeeze %dma_wait3A_622 : memref<1x8x128xf32, #tpu.memory_space<vmem>> -> memref<8x128xf32, #tpu.memory_space<vmem>>
        tpu.wait_dma2 semaphore(%dma_wait3A_615 : memref<!tpu.dma_semaphore, #tpu.memory_space<semaphore_mem>>) src(%dma_wait3A_623 : memref<8x128xf32, #tpu.memory_space<vmem>>) dst(%dma_wait3A_619 : memref<8x128xf32, #tpu.memory_space<hbm>>)
      } else {
      }
      %add3A_441 = arith.addi %mul3A_2, %add3A_425 : i32
      %shift_right_logical3A = arith.constant 5 : i32
      %shift_right_logical3A_442 = arith.shrui %add3A_441, %shift_right_logical3A : i32
      %get3A = arith.index_cast %shift_right_logical3A_442 : i32 to index
      %get3A_443 = arith.constant 0 : index
      %get3A_444 = tpu.vector_load %arg7[%get3A, %get3A_443] {strides = array<i32>} : memref<200x32xf32, #tpu.memory_space<vmem>>, vector<16xf32>,
      %get3A_445 = arith.index_cast %shift_right_logical3A_442 : i32 to index
      %get3A_446 = arith.constant 16 : index
      %get3A_447 = tpu.vector_load %arg7[%get3A_445, %get3A_446] {strides = array<i32>} : memref<200x32xf32, #tpu.memory_space<vmem>>, vector<16xf32>,
      %scan3A_448 = arith.constant 0 : i32
      %scan3A_449 = arith.constant 128 : i32
      %scan3A_450 = arith.addi %scan3A_448, %scan3A_449 : i32
      %scan3A_451 = arith.constant 1 : i32
      scf.for %scan3A_540 = %scan3A_448 to %scan3A_450 step %scan3A_451  : i32 {
        %mul3A_541 = arith.constant 1 : i32
        %mul3A_542 = arith.muli %scan3A_540, %mul3A_541 : i32
        %add3A_543 = arith.constant 0 : i32
        %add3A_544 = arith.addi %add3A_543, %mul3A_542 : i32
        %broadcast_in_dim3A = vector.broadcast %add3A_544 : i32 to vector<16xi32>
        %get3A_545 = arith.index_cast %and3A_426 : i32 to index
        %get3A_546 = arith.index_cast %add3A_544 : i32 to index
        %get3A_547 = arith.constant 0 : index
        %get3A_548 = tpu.vector_load %arg8[%get3A_545, %get3A_546, %get3A_547] {strides = array<i32>} : memref<4x128x32xf32, #tpu.memory_space<vmem>>, vector<16xf32>,
        %add3A_549 = arith.addf %get3A_548, %get3A_444 : vector<16xf32>
        %scatter3A = arith.constant 0 : i32
        %scatter3A_550 = arith.constant 0 : i32
        %scatter3A_551 = tpu.memref_slice %arg9[%and3A_426, %scatter3A, %scatter3A_550] : memref<4x32x129xf32, #tpu.memory_space<vmem>> -> memref<1x32x129xf32, #tpu.memory_space<vmem>>
        %scatter3A_552 = tpu.memref_squeeze %scatter3A_551 : memref<1x32x129xf32, #tpu.memory_space<vmem>> -> memref<32x129xf32, #tpu.memory_space<vmem>>
        tpu.vector_store_idx %scatter3A_552[%iota3A, %broadcast_in_dim3A], %add3A_549 : memref<32x129xf32, #tpu.memory_space<vmem>>[vector<16xi32>, vector<16xi32>], vector<16xf32>,
        %get3A_553 = arith.index_cast %and3A_426 : i32 to index
        %get3A_554 = arith.index_cast %add3A_544 : i32 to index
        %get3A_555 = arith.constant 16 : index
        %get3A_556 = tpu.vector_load %arg8[%get3A_553, %get3A_554, %get3A_555] {strides = array<i32>} : memref<4x128x32xf32, #tpu.memory_space<vmem>>, vector<16xf32>,
        %add3A_557 = arith.addf %get3A_556, %get3A_447 : vector<16xf32>
        %scatter3A_558 = arith.constant 0 : i32
        %scatter3A_559 = arith.constant 0 : i32
        %scatter3A_560 = tpu.memref_slice %arg9[%and3A_426, %scatter3A_558, %scatter3A_559] : memref<4x32x129xf32, #tpu.memory_space<vmem>> -> memref<1x32x129xf32, #tpu.memory_space<vmem>>
        %scatter3A_561 = tpu.memref_squeeze %scatter3A_560 : memref<1x32x129xf32, #tpu.memory_space<vmem>> -> memref<32x129xf32, #tpu.memory_space<vmem>>
        tpu.vector_store_idx %scatter3A_561[%add3A_5, %broadcast_in_dim3A], %add3A_557 : memref<32x129xf32, #tpu.memory_space<vmem>>[vector<16xi32>, vector<16xi32>], vector<16xf32>,
      }
      %scan3A_452 = arith.constant 128 : i32
      %shift_right_logical3A_453 = arith.constant 5 : i32
      %shift_right_logical3A_454 = arith.shrui %add3A_441, %shift_right_logical3A_453 : i32
      %and3A_455 = arith.constant 31 : i32
      %and3A_456 = arith.andi %add3A_441, %and3A_455 : i32
      %dma_start3A_457 = arith.constant 0 : i32
      %dma_start3A_458 = arith.constant 0 : i32
      %dma_start3A_459 = arith.constant 0 : i32
      %dma_start3A_460 = tpu.memref_slice %arg9[%and3A_426, %dma_start3A_458, %dma_start3A_459] : memref<4x32x129xf32, #tpu.memory_space<vmem>> -> memref<1x8x128xf32, #tpu.memory_space<vmem>>
      %dma_start3A_461 = tpu.memref_squeeze %dma_start3A_460 : memref<1x8x128xf32, #tpu.memory_space<vmem>> -> memref<8x128xf32, #tpu.memory_space<vmem>>
      %dma_start3A_462 = arith.constant 0 : i32
      %dma_start3A_463 = arith.constant 0 : i32
      %dma_start3A_464 = tpu.memref_slice %arg5[%shift_right_logical3A_454, %dma_start3A_457, %and3A_456, %dma_start3A_462, %dma_start3A_463] : memref<200x4x32x8x128xf32, #tpu.memory_space<hbm>> -> memref<1x1x1x8x128xf32, #tpu.memory_space<hbm>>
      %dma_start3A_465 = tpu.memref_squeeze %dma_start3A_464 : memref<1x1x1x8x128xf32, #tpu.memory_space<hbm>> -> memref<8x128xf32, #tpu.memory_space<hbm>>
      %dma_start3A_466 = tpu.memref_slice %arg11[%and3A_426] : memref<4x!tpu.dma_semaphore, #tpu.memory_space<semaphore_mem>> -> memref<1x!tpu.dma_semaphore, #tpu.memory_space<semaphore_mem>>
      %dma_start3A_467 = tpu.memref_squeeze %dma_start3A_466 : memref<1x!tpu.dma_semaphore, #tpu.memory_space<semaphore_mem>> -> memref<!tpu.dma_semaphore, #tpu.memory_space<semaphore_mem>>
      %dma_start3A_468 = arith.constant 0 : i32
      %dma_start3A_469 = arith.constant 0 : i32
      %dma_start3A_470 = tpu.memref_slice %arg5[%shift_right_logical3A_454, %dma_start3A_457, %and3A_456, %dma_start3A_468, %dma_start3A_469] : memref<200x4x32x8x128xf32, #tpu.memory_space<hbm>> -> memref<1x1x1x8x128xf32, #tpu.memory_space<hbm>>
      %dma_start3A_471 = tpu.memref_squeeze %dma_start3A_470 : memref<1x1x1x8x128xf32, #tpu.memory_space<hbm>> -> memref<8x128xf32, #tpu.memory_space<hbm>>
      %dma_start3A_472 = arith.constant 0 : i32
      %dma_start3A_473 = arith.constant 0 : i32
      %dma_start3A_474 = tpu.memref_slice %arg9[%and3A_426, %dma_start3A_472, %dma_start3A_473] : memref<4x32x129xf32, #tpu.memory_space<vmem>> -> memref<1x8x128xf32, #tpu.memory_space<vmem>>
      %dma_start3A_475 = tpu.memref_squeeze %dma_start3A_474 : memref<1x8x128xf32, #tpu.memory_space<vmem>> -> memref<8x128xf32, #tpu.memory_space<vmem>>
      tpu.enqueue_dma source(%dma_start3A_475 : memref<8x128xf32, #tpu.memory_space<vmem>>) target(%dma_start3A_471 : memref<8x128xf32, #tpu.memory_space<hbm>>) target_semaphore(%dma_start3A_467 : memref<!tpu.dma_semaphore, #tpu.memory_space<semaphore_mem>>)
      %dma_start3A_476 = arith.constant 1 : i32
      %dma_start3A_477 = arith.constant 8 : i32
      %dma_start3A_478 = arith.constant 0 : i32
      %dma_start3A_479 = tpu.memref_slice %arg9[%and3A_426, %dma_start3A_477, %dma_start3A_478] : memref<4x32x129xf32, #tpu.memory_space<vmem>> -> memref<1x8x128xf32, #tpu.memory_space<vmem>>
      %dma_start3A_480 = tpu.memref_squeeze %dma_start3A_479 : memref<1x8x128xf32, #tpu.memory_space<vmem>> -> memref<8x128xf32, #tpu.memory_space<vmem>>
      %dma_start3A_481 = arith.constant 0 : i32
      %dma_start3A_482 = arith.constant 0 : i32
      %dma_start3A_483 = tpu.memref_slice %arg5[%shift_right_logical3A_454, %dma_start3A_476, %and3A_456, %dma_start3A_481, %dma_start3A_482] : memref<200x4x32x8x128xf32, #tpu.memory_space<hbm>> -> memref<1x1x1x8x128xf32, #tpu.memory_space<hbm>>
      %dma_start3A_484 = tpu.memref_squeeze %dma_start3A_483 : memref<1x1x1x8x128xf32, #tpu.memory_space<hbm>> -> memref<8x128xf32, #tpu.memory_space<hbm>>
      %dma_start3A_485 = tpu.memref_slice %arg11[%and3A_426] : memref<4x!tpu.dma_semaphore, #tpu.memory_space<semaphore_mem>> -> memref<1x!tpu.dma_semaphore, #tpu.memory_space<semaphore_mem>>
      %dma_start3A_486 = tpu.memref_squeeze %dma_start3A_485 : memref<1x!tpu.dma_semaphore, #tpu.memory_space<semaphore_mem>> -> memref<!tpu.dma_semaphore, #tpu.memory_space<semaphore_mem>>
      %dma_start3A_487 = arith.constant 0 : i32
      %dma_start3A_488 = arith.constant 0 : i32
      %dma_start3A_489 = tpu.memref_slice %arg5[%shift_right_logical3A_454, %dma_start3A_476, %and3A_456, %dma_start3A_487, %dma_start3A_488] : memref<200x4x32x8x128xf32, #tpu.memory_space<hbm>> -> memref<1x1x1x8x128xf32, #tpu.memory_space<hbm>>
      %dma_start3A_490 = tpu.memref_squeeze %dma_start3A_489 : memref<1x1x1x8x128xf32, #tpu.memory_space<hbm>> -> memref<8x128xf32, #tpu.memory_space<hbm>>
      %dma_start3A_491 = arith.constant 8 : i32
      %dma_start3A_492 = arith.constant 0 : i32
      %dma_start3A_493 = tpu.memref_slice %arg9[%and3A_426, %dma_start3A_491, %dma_start3A_492] : memref<4x32x129xf32, #tpu.memory_space<vmem>> -> memref<1x8x128xf32, #tpu.memory_space<vmem>>
      %dma_start3A_494 = tpu.memref_squeeze %dma_start3A_493 : memref<1x8x128xf32, #tpu.memory_space<vmem>> -> memref<8x128xf32, #tpu.memory_space<vmem>>
      tpu.enqueue_dma source(%dma_start3A_494 : memref<8x128xf32, #tpu.memory_space<vmem>>) target(%dma_start3A_490 : memref<8x128xf32, #tpu.memory_space<hbm>>) target_semaphore(%dma_start3A_486 : memref<!tpu.dma_semaphore, #tpu.memory_space<semaphore_mem>>)
      %dma_start3A_495 = arith.constant 2 : i32
      %dma_start3A_496 = arith.constant 16 : i32
      %dma_start3A_497 = arith.constant 0 : i32
      %dma_start3A_498 = tpu.memref_slice %arg9[%and3A_426, %dma_start3A_496, %dma_start3A_497] : memref<4x32x129xf32, #tpu.memory_space<vmem>> -> memref<1x8x128xf32, #tpu.memory_space<vmem>>
      %dma_start3A_499 = tpu.memref_squeeze %dma_start3A_498 : memref<1x8x128xf32, #tpu.memory_space<vmem>> -> memref<8x128xf32, #tpu.memory_space<vmem>>
      %dma_start3A_500 = arith.constant 0 : i32
      %dma_start3A_501 = arith.constant 0 : i32
      %dma_start3A_502 = tpu.memref_slice %arg5[%shift_right_logical3A_454, %dma_start3A_495, %and3A_456, %dma_start3A_500, %dma_start3A_501] : memref<200x4x32x8x128xf32, #tpu.memory_space<hbm>> -> memref<1x1x1x8x128xf32, #tpu.memory_space<hbm>>
      %dma_start3A_503 = tpu.memref_squeeze %dma_start3A_502 : memref<1x1x1x8x128xf32, #tpu.memory_space<hbm>> -> memref<8x128xf32, #tpu.memory_space<hbm>>
      %dma_start3A_504 = tpu.memref_slice %arg11[%and3A_426] : memref<4x!tpu.dma_semaphore, #tpu.memory_space<semaphore_mem>> -> memref<1x!tpu.dma_semaphore, #tpu.memory_space<semaphore_mem>>
      %dma_start3A_505 = tpu.memref_squeeze %dma_start3A_504 : memref<1x!tpu.dma_semaphore, #tpu.memory_space<semaphore_mem>> -> memref<!tpu.dma_semaphore, #tpu.memory_space<semaphore_mem>>
      %dma_start3A_506 = arith.constant 0 : i32
      %dma_start3A_507 = arith.constant 0 : i32
      %dma_start3A_508 = tpu.memref_slice %arg5[%shift_right_logical3A_454, %dma_start3A_495, %and3A_456, %dma_start3A_506, %dma_start3A_507] : memref<200x4x32x8x128xf32, #tpu.memory_space<hbm>> -> memref<1x1x1x8x128xf32, #tpu.memory_space<hbm>>
      %dma_start3A_509 = tpu.memref_squeeze %dma_start3A_508 : memref<1x1x1x8x128xf32, #tpu.memory_space<hbm>> -> memref<8x128xf32, #tpu.memory_space<hbm>>
      %dma_start3A_510 = arith.constant 16 : i32
      %dma_start3A_511 = arith.constant 0 : i32
      %dma_start3A_512 = tpu.memref_slice %arg9[%and3A_426, %dma_start3A_510, %dma_start3A_511] : memref<4x32x129xf32, #tpu.memory_space<vmem>> -> memref<1x8x128xf32, #tpu.memory_space<vmem>>
      %dma_start3A_513 = tpu.memref_squeeze %dma_start3A_512 : memref<1x8x128xf32, #tpu.memory_space<vmem>> -> memref<8x128xf32, #tpu.memory_space<vmem>>
      tpu.enqueue_dma source(%dma_start3A_513 : memref<8x128xf32, #tpu.memory_space<vmem>>) target(%dma_start3A_509 : memref<8x128xf32, #tpu.memory_space<hbm>>) target_semaphore(%dma_start3A_505 : memref<!tpu.dma_semaphore, #tpu.memory_space<semaphore_mem>>)
      %dma_start3A_514 = arith.constant 3 : i32
      %dma_start3A_515 = arith.constant 24 : i32
      %dma_start3A_516 = arith.constant 0 : i32
      %dma_start3A_517 = tpu.memref_slice %arg9[%and3A_426, %dma_start3A_515, %dma_start3A_516] : memref<4x32x129xf32, #tpu.memory_space<vmem>> -> memref<1x8x128xf32, #tpu.memory_space<vmem>>
      %dma_start3A_518 = tpu.memref_squeeze %dma_start3A_517 : memref<1x8x128xf32, #tpu.memory_space<vmem>> -> memref<8x128xf32, #tpu.memory_space<vmem>>
      %dma_start3A_519 = arith.constant 0 : i32
      %dma_start3A_520 = arith.constant 0 : i32
      %dma_start3A_521 = tpu.memref_slice %arg5[%shift_right_logical3A_454, %dma_start3A_514, %and3A_456, %dma_start3A_519, %dma_start3A_520] : memref<200x4x32x8x128xf32, #tpu.memory_space<hbm>> -> memref<1x1x1x8x128xf32, #tpu.memory_space<hbm>>
      %dma_start3A_522 = tpu.memref_squeeze %dma_start3A_521 : memref<1x1x1x8x128xf32, #tpu.memory_space<hbm>> -> memref<8x128xf32, #tpu.memory_space<hbm>>
      %dma_start3A_523 = tpu.memref_slice %arg11[%and3A_426] : memref<4x!tpu.dma_semaphore, #tpu.memory_space<semaphore_mem>> -> memref<1x!tpu.dma_semaphore, #tpu.memory_space<semaphore_mem>>
      %dma_start3A_524 = tpu.memref_squeeze %dma_start3A_523 : memref<1x!tpu.dma_semaphore, #tpu.memory_space<semaphore_mem>> -> memref<!tpu.dma_semaphore, #tpu.memory_space<semaphore_mem>>
      %dma_start3A_525 = arith.constant 0 : i32
      %dma_start3A_526 = arith.constant 0 : i32
      %dma_start3A_527 = tpu.memref_slice %arg5[%shift_right_logical3A_454, %dma_start3A_514, %and3A_456, %dma_start3A_525, %dma_start3A_526] : memref<200x4x32x8x128xf32, #tpu.memory_space<hbm>> -> memref<1x1x1x8x128xf32, #tpu.memory_space<hbm>>
      %dma_start3A_528 = tpu.memref_squeeze %dma_start3A_527 : memref<1x1x1x8x128xf32, #tpu.memory_space<hbm>> -> memref<8x128xf32, #tpu.memory_space<hbm>>
      %dma_start3A_529 = arith.constant 24 : i32
      %dma_start3A_530 = arith.constant 0 : i32
      %dma_start3A_531 = tpu.memref_slice %arg9[%and3A_426, %dma_start3A_529, %dma_start3A_530] : memref<4x32x129xf32, #tpu.memory_space<vmem>> -> memref<1x8x128xf32, #tpu.memory_space<vmem>>
      %dma_start3A_532 = tpu.memref_squeeze %dma_start3A_531 : memref<1x8x128xf32, #tpu.memory_space<vmem>> -> memref<8x128xf32, #tpu.memory_space<vmem>>
      tpu.enqueue_dma source(%dma_start3A_532 : memref<8x128xf32, #tpu.memory_space<vmem>>) target(%dma_start3A_528 : memref<8x128xf32, #tpu.memory_space<hbm>>) target_semaphore(%dma_start3A_524 : memref<!tpu.dma_semaphore, #tpu.memory_space<semaphore_mem>>)
      %add3A_533 = arith.constant 4 : i32
      %add3A_534 = arith.addi %add3A_425, %add3A_533 : i32
      %sub3A = arith.constant 1 : i32
      %sub3A_535 = arith.subi %add3A_534, %sub3A : i32
      %lt3A = arith.constant 200 : i32
      %lt3A_536 = arith.cmpi slt, %sub3A_535, %lt3A : i32
      %convert_element_type3A_537 = arith.extui %lt3A_536 : i1 to i32
      %cond3A_538 = arith.constant 0 : i32
      %cond3A_539 = arith.cmpi ne, %convert_element_type3A_537, %cond3A_538 : i32
      scf.if %cond3A_539 {
        %add3A_540 = arith.constant 4 : i32
        %add3A_541 = arith.addi %add3A_425, %add3A_540 : i32
        %sub3A_542 = arith.constant 1 : i32
        %sub3A_543 = arith.subi %add3A_541, %sub3A_542 : i32
        %and3A_544 = arith.constant 3 : i32
        %and3A_545 = arith.andi %sub3A_543, %and3A_544 : i32
        %dma_start3A_546 = arith.constant 0 : i32
        %dma_start3A_547 = arith.constant 0 : i32
        %dma_start3A_548 = tpu.memref_slice %arg8[%and3A_545, %dma_start3A_546, %dma_start3A_547] : memref<4x128x32xf32, #tpu.memory_space<vmem>> -> memref<1x128x32xf32, #tpu.memory_space<vmem>>
        %dma_start3A_549 = tpu.memref_squeeze %dma_start3A_548 : memref<1x128x32xf32, #tpu.memory_space<vmem>> -> memref<128x32xf32, #tpu.memory_space<vmem>>
        %dma_start3A_550 = arith.constant 0 : i32
        %dma_start3A_551 = tpu.memref_slice %arg6[%sub3A_543, %dma_start3A_550] : memref<200x128xi32, #tpu.memory_space<vmem>> -> memref<1x128xi32, #tpu.memory_space<vmem>>
        %dma_start3A_552 = tpu.memref_squeeze %dma_start3A_551 : memref<1x128xi32, #tpu.memory_space<vmem>> -> memref<128xi32, #tpu.memory_space<vmem>>
        %dma_start3A_553 = arith.constant 0 : i32
        %dma_start3A_554 = arith.constant 0 : i32
        %dma_start3A_555 = tpu.memref_slice %arg3[%dma_start3A_553, %dma_start3A_554] : memref<4000000x32xf32, #tpu.memory_space<hbm>> -> memref<4000000x32xf32, #tpu.memory_space<hbm>>
        %dma_start3A_556 = tpu.memref_slice %arg10[%and3A_545] : memref<4x!tpu.dma_semaphore, #tpu.memory_space<semaphore_mem>> -> memref<1x!tpu.dma_semaphore, #tpu.memory_space<semaphore_mem>>
        %dma_start3A_557 = tpu.memref_squeeze %dma_start3A_556 : memref<1x!tpu.dma_semaphore, #tpu.memory_space<semaphore_mem>> -> memref<!tpu.dma_semaphore, #tpu.memory_space<semaphore_mem>>
        tpu.enqueue_indirect_dma source(%dma_start3A_555 : memref<4000000x32xf32, #tpu.memory_space<hbm>>) target(%dma_start3A_549 : memref<128x32xf32, #tpu.memory_space<vmem>>) offsets(%dma_start3A_552 : memref<128xi32, #tpu.memory_space<vmem>>) semaphore(%dma_start3A_557 : memref<!tpu.dma_semaphore, #tpu.memory_space<semaphore_mem>>)
      } else {
      }
    }
    %scan3A_53 = arith.constant 200 : i32
    %dma_wait3A = arith.constant 0 : i32
    %dma_wait3A_54 = arith.constant 0 : i32
    %dma_wait3A_55 = arith.constant 0 : i32
    %dma_wait3A_56 = arith.constant 0 : i32
    %dma_wait3A_57 = arith.constant 0 : i32
    %dma_wait3A_58 = arith.constant 0 : i32
    %dma_wait3A_59 = arith.constant 0 : i32
    %dma_wait3A_60 = tpu.memref_slice %arg9[%dma_wait3A, %dma_wait3A_58, %dma_wait3A_59] : memref<4x32x129xf32, #tpu.memory_space<vmem>> -> memref<1x8x128xf32, #tpu.memory_space<vmem>>
    %dma_wait3A_61 = tpu.memref_squeeze %dma_wait3A_60 : memref<1x8x128xf32, #tpu.memory_space<vmem>> -> memref<8x128xf32, #tpu.memory_space<vmem>>
    %dma_wait3A_62 = arith.constant 0 : i32
    %dma_wait3A_63 = arith.constant 0 : i32
    %dma_wait3A_64 = tpu.memref_slice %arg5[%dma_wait3A_54, %dma_wait3A_55, %dma_wait3A_56, %dma_wait3A_62, %dma_wait3A_63] : memref<200x4x32x8x128xf32, #tpu.memory_space<hbm>> -> memref<1x1x1x8x128xf32, #tpu.memory_space<hbm>>
    %dma_wait3A_65 = tpu.memref_squeeze %dma_wait3A_64 : memref<1x1x1x8x128xf32, #tpu.memory_space<hbm>> -> memref<8x128xf32, #tpu.memory_space<hbm>>
    %dma_wait3A_66 = tpu.memref_slice %arg11[%dma_wait3A_57] : memref<4x!tpu.dma_semaphore, #tpu.memory_space<semaphore_mem>> -> memref<1x!tpu.dma_semaphore, #tpu.memory_space<semaphore_mem>>
    %dma_wait3A_67 = tpu.memref_squeeze %dma_wait3A_66 : memref<1x!tpu.dma_semaphore, #tpu.memory_space<semaphore_mem>> -> memref<!tpu.dma_semaphore, #tpu.memory_space<semaphore_mem>>
    %dma_wait3A_68 = arith.constant 0 : i32
    %dma_wait3A_69 = arith.constant 0 : i32
    %dma_wait3A_70 = tpu.memref_slice %arg5[%dma_wait3A_54, %dma_wait3A_55, %dma_wait3A_56, %dma_wait3A_68, %dma_wait3A_69] : memref<200x4x32x8x128xf32, #tpu.memory_space<hbm>> -> memref<1x1x1x8x128xf32, #tpu.memory_space<hbm>>
    %dma_wait3A_71 = tpu.memref_squeeze %dma_wait3A_70 : memref<1x1x1x8x128xf32, #tpu.memory_space<hbm>> -> memref<8x128xf32, #tpu.memory_space<hbm>>
    %dma_wait3A_72 = arith.constant 0 : i32
    %dma_wait3A_73 = arith.constant 0 : i32
    %dma_wait3A_74 = tpu.memref_slice %arg9[%dma_wait3A, %dma_wait3A_72, %dma_wait3A_73] : memref<4x32x129xf32, #tpu.memory_space<vmem>> -> memref<1x8x128xf32, #tpu.memory_space<vmem>>
    %dma_wait3A_75 = tpu.memref_squeeze %dma_wait3A_74 : memref<1x8x128xf32, #tpu.memory_space<vmem>> -> memref<8x128xf32, #tpu.memory_space<vmem>>
    tpu.wait_dma2 semaphore(%dma_wait3A_67 : memref<!tpu.dma_semaphore, #tpu.memory_space<semaphore_mem>>) src(%dma_wait3A_75 : memref<8x128xf32, #tpu.memory_space<vmem>>) dst(%dma_wait3A_71 : memref<8x128xf32, #tpu.memory_space<hbm>>)
    %dma_wait3A_76 = arith.constant 0 : i32
    %dma_wait3A_77 = arith.constant 0 : i32
    %dma_wait3A_78 = arith.constant 1 : i32
    %dma_wait3A_79 = arith.constant 0 : i32
    %dma_wait3A_80 = arith.constant 0 : i32
    %dma_wait3A_81 = arith.constant 8 : i32
    %dma_wait3A_82 = arith.constant 0 : i32
    %dma_wait3A_83 = tpu.memref_slice %arg9[%dma_wait3A_76, %dma_wait3A_81, %dma_wait3A_82] : memref<4x32x129xf32, #tpu.memory_space<vmem>> -> memref<1x8x128xf32, #tpu.memory_space<vmem>>
    %dma_wait3A_84 = tpu.memref_squeeze %dma_wait3A_83 : memref<1x8x128xf32, #tpu.memory_space<vmem>> -> memref<8x128xf32, #tpu.memory_space<vmem>>
    %dma_wait3A_85 = arith.constant 0 : i32
    %dma_wait3A_86 = arith.constant 0 : i32
    %dma_wait3A_87 = tpu.memref_slice %arg5[%dma_wait3A_77, %dma_wait3A_78, %dma_wait3A_79, %dma_wait3A_85, %dma_wait3A_86] : memref<200x4x32x8x128xf32, #tpu.memory_space<hbm>> -> memref<1x1x1x8x128xf32, #tpu.memory_space<hbm>>
    %dma_wait3A_88 = tpu.memref_squeeze %dma_wait3A_87 : memref<1x1x1x8x128xf32, #tpu.memory_space<hbm>> -> memref<8x128xf32, #tpu.memory_space<hbm>>
    %dma_wait3A_89 = tpu.memref_slice %arg11[%dma_wait3A_80] : memref<4x!tpu.dma_semaphore, #tpu.memory_space<semaphore_mem>> -> memref<1x!tpu.dma_semaphore, #tpu.memory_space<semaphore_mem>>
    %dma_wait3A_90 = tpu.memref_squeeze %dma_wait3A_89 : memref<1x!tpu.dma_semaphore, #tpu.memory_space<semaphore_mem>> -> memref<!tpu.dma_semaphore, #tpu.memory_space<semaphore_mem>>
    %dma_wait3A_91 = arith.constant 0 : i32
    %dma_wait3A_92 = arith.constant 0 : i32
    %dma_wait3A_93 = tpu.memref_slice %arg5[%dma_wait3A_77, %dma_wait3A_78, %dma_wait3A_79, %dma_wait3A_91, %dma_wait3A_92] : memref<200x4x32x8x128xf32, #tpu.memory_space<hbm>> -> memref<1x1x1x8x128xf32, #tpu.memory_space<hbm>>
    %dma_wait3A_94 = tpu.memref_squeeze %dma_wait3A_93 : memref<1x1x1x8x128xf32, #tpu.memory_space<hbm>> -> memref<8x128xf32, #tpu.memory_space<hbm>>
    %dma_wait3A_95 = arith.constant 8 : i32
    %dma_wait3A_96 = arith.constant 0 : i32
    %dma_wait3A_97 = tpu.memref_slice %arg9[%dma_wait3A_76, %dma_wait3A_95, %dma_wait3A_96] : memref<4x32x129xf32, #tpu.memory_space<vmem>> -> memref<1x8x128xf32, #tpu.memory_space<vmem>>
    %dma_wait3A_98 = tpu.memref_squeeze %dma_wait3A_97 : memref<1x8x128xf32, #tpu.memory_space<vmem>> -> memref<8x128xf32, #tpu.memory_space<vmem>>
    tpu.wait_dma2 semaphore(%dma_wait3A_90 : memref<!tpu.dma_semaphore, #tpu.memory_space<semaphore_mem>>) src(%dma_wait3A_98 : memref<8x128xf32, #tpu.memory_space<vmem>>) dst(%dma_wait3A_94 : memref<8x128xf32, #tpu.memory_space<hbm>>)
    %dma_wait3A_99 = arith.constant 0 : i32
    %dma_wait3A_100 = arith.constant 0 : i32
    %dma_wait3A_101 = arith.constant 2 : i32
    %dma_wait3A_102 = arith.constant 0 : i32
    %dma_wait3A_103 = arith.constant 0 : i32
    %dma_wait3A_104 = arith.constant 16 : i32
    %dma_wait3A_105 = arith.constant 0 : i32
    %dma_wait3A_106 = tpu.memref_slice %arg9[%dma_wait3A_99, %dma_wait3A_104, %dma_wait3A_105] : memref<4x32x129xf32, #tpu.memory_space<vmem>> -> memref<1x8x128xf32, #tpu.memory_space<vmem>>
    %dma_wait3A_107 = tpu.memref_squeeze %dma_wait3A_106 : memref<1x8x128xf32, #tpu.memory_space<vmem>> -> memref<8x128xf32, #tpu.memory_space<vmem>>
    %dma_wait3A_108 = arith.constant 0 : i32
    %dma_wait3A_109 = arith.constant 0 : i32
    %dma_wait3A_110 = tpu.memref_slice %arg5[%dma_wait3A_100, %dma_wait3A_101, %dma_wait3A_102, %dma_wait3A_108, %dma_wait3A_109] : memref<200x4x32x8x128xf32, #tpu.memory_space<hbm>> -> memref<1x1x1x8x128xf32, #tpu.memory_space<hbm>>
    %dma_wait3A_111 = tpu.memref_squeeze %dma_wait3A_110 : memref<1x1x1x8x128xf32, #tpu.memory_space<hbm>> -> memref<8x128xf32, #tpu.memory_space<hbm>>
    %dma_wait3A_112 = tpu.memref_slice %arg11[%dma_wait3A_103] : memref<4x!tpu.dma_semaphore, #tpu.memory_space<semaphore_mem>> -> memref<1x!tpu.dma_semaphore, #tpu.memory_space<semaphore_mem>>
    %dma_wait3A_113 = tpu.memref_squeeze %dma_wait3A_112 : memref<1x!tpu.dma_semaphore, #tpu.memory_space<semaphore_mem>> -> memref<!tpu.dma_semaphore, #tpu.memory_space<semaphore_mem>>
    %dma_wait3A_114 = arith.constant 0 : i32
    %dma_wait3A_115 = arith.constant 0 : i32
    %dma_wait3A_116 = tpu.memref_slice %arg5[%dma_wait3A_100, %dma_wait3A_101, %dma_wait3A_102, %dma_wait3A_114, %dma_wait3A_115] : memref<200x4x32x8x128xf32, #tpu.memory_space<hbm>> -> memref<1x1x1x8x128xf32, #tpu.memory_space<hbm>>
    %dma_wait3A_117 = tpu.memref_squeeze %dma_wait3A_116 : memref<1x1x1x8x128xf32, #tpu.memory_space<hbm>> -> memref<8x128xf32, #tpu.memory_space<hbm>>
    %dma_wait3A_118 = arith.constant 16 : i32
    %dma_wait3A_119 = arith.constant 0 : i32
    %dma_wait3A_120 = tpu.memref_slice %arg9[%dma_wait3A_99, %dma_wait3A_118, %dma_wait3A_119] : memref<4x32x129xf32, #tpu.memory_space<vmem>> -> memref<1x8x128xf32, #tpu.memory_space<vmem>>
    %dma_wait3A_121 = tpu.memref_squeeze %dma_wait3A_120 : memref<1x8x128xf32, #tpu.memory_space<vmem>> -> memref<8x128xf32, #tpu.memory_space<vmem>>
    tpu.wait_dma2 semaphore(%dma_wait3A_113 : memref<!tpu.dma_semaphore, #tpu.memory_space<semaphore_mem>>) src(%dma_wait3A_121 : memref<8x128xf32, #tpu.memory_space<vmem>>) dst(%dma_wait3A_117 : memref<8x128xf32, #tpu.memory_space<hbm>>)
    %dma_wait3A_122 = arith.constant 0 : i32
    %dma_wait3A_123 = arith.constant 0 : i32
    %dma_wait3A_124 = arith.constant 3 : i32
    %dma_wait3A_125 = arith.constant 0 : i32
    %dma_wait3A_126 = arith.constant 0 : i32
    %dma_wait3A_127 = arith.constant 24 : i32
    %dma_wait3A_128 = arith.constant 0 : i32
    %dma_wait3A_129 = tpu.memref_slice %arg9[%dma_wait3A_122, %dma_wait3A_127, %dma_wait3A_128] : memref<4x32x129xf32, #tpu.memory_space<vmem>> -> memref<1x8x128xf32, #tpu.memory_space<vmem>>
    %dma_wait3A_130 = tpu.memref_squeeze %dma_wait3A_129 : memref<1x8x128xf32, #tpu.memory_space<vmem>> -> memref<8x128xf32, #tpu.memory_space<vmem>>
    %dma_wait3A_131 = arith.constant 0 : i32
    %dma_wait3A_132 = arith.constant 0 : i32
    %dma_wait3A_133 = tpu.memref_slice %arg5[%dma_wait3A_123, %dma_wait3A_124, %dma_wait3A_125, %dma_wait3A_131, %dma_wait3A_132] : memref<200x4x32x8x128xf32, #tpu.memory_space<hbm>> -> memref<1x1x1x8x128xf32, #tpu.memory_space<hbm>>
    %dma_wait3A_134 = tpu.memref_squeeze %dma_wait3A_133 : memref<1x1x1x8x128xf32, #tpu.memory_space<hbm>> -> memref<8x128xf32, #tpu.memory_space<hbm>>
    %dma_wait3A_135 = tpu.memref_slice %arg11[%dma_wait3A_126] : memref<4x!tpu.dma_semaphore, #tpu.memory_space<semaphore_mem>> -> memref<1x!tpu.dma_semaphore, #tpu.memory_space<semaphore_mem>>
    %dma_wait3A_136 = tpu.memref_squeeze %dma_wait3A_135 : memref<1x!tpu.dma_semaphore, #tpu.memory_space<semaphore_mem>> -> memref<!tpu.dma_semaphore, #tpu.memory_space<semaphore_mem>>
    %dma_wait3A_137 = arith.constant 0 : i32
    %dma_wait3A_138 = arith.constant 0 : i32
    %dma_wait3A_139 = tpu.memref_slice %arg5[%dma_wait3A_123, %dma_wait3A_124, %dma_wait3A_125, %dma_wait3A_137, %dma_wait3A_138] : memref<200x4x32x8x128xf32, #tpu.memory_space<hbm>> -> memref<1x1x1x8x128xf32, #tpu.memory_space<hbm>>
    %dma_wait3A_140 = tpu.memref_squeeze %dma_wait3A_139 : memref<1x1x1x8x128xf32, #tpu.memory_space<hbm>> -> memref<8x128xf32, #tpu.memory_space<hbm>>
    %dma_wait3A_141 = arith.constant 24 : i32
    %dma_wait3A_142 = arith.constant 0 : i32
    %dma_wait3A_143 = tpu.memref_slice %arg9[%dma_wait3A_122, %dma_wait3A_141, %dma_wait3A_142] : memref<4x32x129xf32, #tpu.memory_space<vmem>> -> memref<1x8x128xf32, #tpu.memory_space<vmem>>
    %dma_wait3A_144 = tpu.memref_squeeze %dma_wait3A_143 : memref<1x8x128xf32, #tpu.memory_space<vmem>> -> memref<8x128xf32, #tpu.memory_space<vmem>>
    tpu.wait_dma2 semaphore(%dma_wait3A_136 : memref<!tpu.dma_semaphore, #tpu.memory_space<semaphore_mem>>) src(%dma_wait3A_144 : memref<8x128xf32, #tpu.memory_space<vmem>>) dst(%dma_wait3A_140 : memref<8x128xf32, #tpu.memory_space<hbm>>)
    %dma_wait3A_145 = arith.constant 1 : i32
    %dma_wait3A_146 = arith.constant 0 : i32
    %dma_wait3A_147 = arith.constant 0 : i32
    %dma_wait3A_148 = arith.constant 0 : i32
    %dma_wait3A_149 = arith.constant 1 : i32
    %dma_wait3A_150 = arith.constant 0 : i32
    %dma_wait3A_151 = arith.constant 0 : i32
    %dma_wait3A_152 = tpu.memref_slice %arg9[%dma_wait3A_145, %dma_wait3A_150, %dma_wait3A_151] : memref<4x32x129xf32, #tpu.memory_space<vmem>> -> memref<1x8x128xf32, #tpu.memory_space<vmem>>
    %dma_wait3A_153 = tpu.memref_squeeze %dma_wait3A_152 : memref<1x8x128xf32, #tpu.memory_space<vmem>> -> memref<8x128xf32, #tpu.memory_space<vmem>>
    %dma_wait3A_154 = arith.constant 0 : i32
    %dma_wait3A_155 = arith.constant 0 : i32
    %dma_wait3A_156 = tpu.memref_slice %arg5[%dma_wait3A_146, %dma_wait3A_147, %dma_wait3A_148, %dma_wait3A_154, %dma_wait3A_155] : memref<200x4x32x8x128xf32, #tpu.memory_space<hbm>> -> memref<1x1x1x8x128xf32, #tpu.memory_space<hbm>>
    %dma_wait3A_157 = tpu.memref_squeeze %dma_wait3A_156 : memref<1x1x1x8x128xf32, #tpu.memory_space<hbm>> -> memref<8x128xf32, #tpu.memory_space<hbm>>
    %dma_wait3A_158 = tpu.memref_slice %arg11[%dma_wait3A_149] : memref<4x!tpu.dma_semaphore, #tpu.memory_space<semaphore_mem>> -> memref<1x!tpu.dma_semaphore, #tpu.memory_space<semaphore_mem>>
    %dma_wait3A_159 = tpu.memref_squeeze %dma_wait3A_158 : memref<1x!tpu.dma_semaphore, #tpu.memory_space<semaphore_mem>> -> memref<!tpu.dma_semaphore, #tpu.memory_space<semaphore_mem>>
    %dma_wait3A_160 = arith.constant 0 : i32
    %dma_wait3A_161 = arith.constant 0 : i32
    %dma_wait3A_162 = tpu.memref_slice %arg5[%dma_wait3A_146, %dma_wait3A_147, %dma_wait3A_148, %dma_wait3A_160, %dma_wait3A_161] : memref<200x4x32x8x128xf32, #tpu.memory_space<hbm>> -> memref<1x1x1x8x128xf32, #tpu.memory_space<hbm>>
    %dma_wait3A_163 = tpu.memref_squeeze %dma_wait3A_162 : memref<1x1x1x8x128xf32, #tpu.memory_space<hbm>> -> memref<8x128xf32, #tpu.memory_space<hbm>>
    %dma_wait3A_164 = arith.constant 0 : i32
    %dma_wait3A_165 = arith.constant 0 : i32
    %dma_wait3A_166 = tpu.memref_slice %arg9[%dma_wait3A_145, %dma_wait3A_164, %dma_wait3A_165] : memref<4x32x129xf32, #tpu.memory_space<vmem>> -> memref<1x8x128xf32, #tpu.memory_space<vmem>>
    %dma_wait3A_167 = tpu.memref_squeeze %dma_wait3A_166 : memref<1x8x128xf32, #tpu.memory_space<vmem>> -> memref<8x128xf32, #tpu.memory_space<vmem>>
    tpu.wait_dma2 semaphore(%dma_wait3A_159 : memref<!tpu.dma_semaphore, #tpu.memory_space<semaphore_mem>>) src(%dma_wait3A_167 : memref<8x128xf32, #tpu.memory_space<vmem>>) dst(%dma_wait3A_163 : memref<8x128xf32, #tpu.memory_space<hbm>>)
    %dma_wait3A_168 = arith.constant 1 : i32
    %dma_wait3A_169 = arith.constant 0 : i32
    %dma_wait3A_170 = arith.constant 1 : i32
    %dma_wait3A_171 = arith.constant 0 : i32
    %dma_wait3A_172 = arith.constant 1 : i32
    %dma_wait3A_173 = arith.constant 8 : i32
    %dma_wait3A_174 = arith.constant 0 : i32
    %dma_wait3A_175 = tpu.memref_slice %arg9[%dma_wait3A_168, %dma_wait3A_173, %dma_wait3A_174] : memref<4x32x129xf32, #tpu.memory_space<vmem>> -> memref<1x8x128xf32, #tpu.memory_space<vmem>>
    %dma_wait3A_176 = tpu.memref_squeeze %dma_wait3A_175 : memref<1x8x128xf32, #tpu.memory_space<vmem>> -> memref<8x128xf32, #tpu.memory_space<vmem>>
    %dma_wait3A_177 = arith.constant 0 : i32
    %dma_wait3A_178 = arith.constant 0 : i32
    %dma_wait3A_179 = tpu.memref_slice %arg5[%dma_wait3A_169, %dma_wait3A_170, %dma_wait3A_171, %dma_wait3A_177, %dma_wait3A_178] : memref<200x4x32x8x128xf32, #tpu.memory_space<hbm>> -> memref<1x1x1x8x128xf32, #tpu.memory_space<hbm>>
    %dma_wait3A_180 = tpu.memref_squeeze %dma_wait3A_179 : memref<1x1x1x8x128xf32, #tpu.memory_space<hbm>> -> memref<8x128xf32, #tpu.memory_space<hbm>>
    %dma_wait3A_181 = tpu.memref_slice %arg11[%dma_wait3A_172] : memref<4x!tpu.dma_semaphore, #tpu.memory_space<semaphore_mem>> -> memref<1x!tpu.dma_semaphore, #tpu.memory_space<semaphore_mem>>
    %dma_wait3A_182 = tpu.memref_squeeze %dma_wait3A_181 : memref<1x!tpu.dma_semaphore, #tpu.memory_space<semaphore_mem>> -> memref<!tpu.dma_semaphore, #tpu.memory_space<semaphore_mem>>
    %dma_wait3A_183 = arith.constant 0 : i32
    %dma_wait3A_184 = arith.constant 0 : i32
    %dma_wait3A_185 = tpu.memref_slice %arg5[%dma_wait3A_169, %dma_wait3A_170, %dma_wait3A_171, %dma_wait3A_183, %dma_wait3A_184] : memref<200x4x32x8x128xf32, #tpu.memory_space<hbm>> -> memref<1x1x1x8x128xf32, #tpu.memory_space<hbm>>
    %dma_wait3A_186 = tpu.memref_squeeze %dma_wait3A_185 : memref<1x1x1x8x128xf32, #tpu.memory_space<hbm>> -> memref<8x128xf32, #tpu.memory_space<hbm>>
    %dma_wait3A_187 = arith.constant 8 : i32
    %dma_wait3A_188 = arith.constant 0 : i32
    %dma_wait3A_189 = tpu.memref_slice %arg9[%dma_wait3A_168, %dma_wait3A_187, %dma_wait3A_188] : memref<4x32x129xf32, #tpu.memory_space<vmem>> -> memref<1x8x128xf32, #tpu.memory_space<vmem>>
    %dma_wait3A_190 = tpu.memref_squeeze %dma_wait3A_189 : memref<1x8x128xf32, #tpu.memory_space<vmem>> -> memref<8x128xf32, #tpu.memory_space<vmem>>
    tpu.wait_dma2 semaphore(%dma_wait3A_182 : memref<!tpu.dma_semaphore, #tpu.memory_space<semaphore_mem>>) src(%dma_wait3A_190 : memref<8x128xf32, #tpu.memory_space<vmem>>) dst(%dma_wait3A_186 : memref<8x128xf32, #tpu.memory_space<hbm>>)
    %dma_wait3A_191 = arith.constant 1 : i32
    %dma_wait3A_192 = arith.constant 0 : i32
    %dma_wait3A_193 = arith.constant 2 : i32
    %dma_wait3A_194 = arith.constant 0 : i32
    %dma_wait3A_195 = arith.constant 1 : i32
    %dma_wait3A_196 = arith.constant 16 : i32
    %dma_wait3A_197 = arith.constant 0 : i32
    %dma_wait3A_198 = tpu.memref_slice %arg9[%dma_wait3A_191, %dma_wait3A_196, %dma_wait3A_197] : memref<4x32x129xf32, #tpu.memory_space<vmem>> -> memref<1x8x128xf32, #tpu.memory_space<vmem>>
    %dma_wait3A_199 = tpu.memref_squeeze %dma_wait3A_198 : memref<1x8x128xf32, #tpu.memory_space<vmem>> -> memref<8x128xf32, #tpu.memory_space<vmem>>
    %dma_wait3A_200 = arith.constant 0 : i32
    %dma_wait3A_201 = arith.constant 0 : i32
    %dma_wait3A_202 = tpu.memref_slice %arg5[%dma_wait3A_192, %dma_wait3A_193, %dma_wait3A_194, %dma_wait3A_200, %dma_wait3A_201] : memref<200x4x32x8x128xf32, #tpu.memory_space<hbm>> -> memref<1x1x1x8x128xf32, #tpu.memory_space<hbm>>
    %dma_wait3A_203 = tpu.memref_squeeze %dma_wait3A_202 : memref<1x1x1x8x128xf32, #tpu.memory_space<hbm>> -> memref<8x128xf32, #tpu.memory_space<hbm>>
    %dma_wait3A_204 = tpu.memref_slice %arg11[%dma_wait3A_195] : memref<4x!tpu.dma_semaphore, #tpu.memory_space<semaphore_mem>> -> memref<1x!tpu.dma_semaphore, #tpu.memory_space<semaphore_mem>>
    %dma_wait3A_205 = tpu.memref_squeeze %dma_wait3A_204 : memref<1x!tpu.dma_semaphore, #tpu.memory_space<semaphore_mem>> -> memref<!tpu.dma_semaphore, #tpu.memory_space<semaphore_mem>>
    %dma_wait3A_206 = arith.constant 0 : i32
    %dma_wait3A_207 = arith.constant 0 : i32
    %dma_wait3A_208 = tpu.memref_slice %arg5[%dma_wait3A_192, %dma_wait3A_193, %dma_wait3A_194, %dma_wait3A_206, %dma_wait3A_207] : memref<200x4x32x8x128xf32, #tpu.memory_space<hbm>> -> memref<1x1x1x8x128xf32, #tpu.memory_space<hbm>>
    %dma_wait3A_209 = tpu.memref_squeeze %dma_wait3A_208 : memref<1x1x1x8x128xf32, #tpu.memory_space<hbm>> -> memref<8x128xf32, #tpu.memory_space<hbm>>
    %dma_wait3A_210 = arith.constant 16 : i32
    %dma_wait3A_211 = arith.constant 0 : i32
    %dma_wait3A_212 = tpu.memref_slice %arg9[%dma_wait3A_191, %dma_wait3A_210, %dma_wait3A_211] : memref<4x32x129xf32, #tpu.memory_space<vmem>> -> memref<1x8x128xf32, #tpu.memory_space<vmem>>
    %dma_wait3A_213 = tpu.memref_squeeze %dma_wait3A_212 : memref<1x8x128xf32, #tpu.memory_space<vmem>> -> memref<8x128xf32, #tpu.memory_space<vmem>>
    tpu.wait_dma2 semaphore(%dma_wait3A_205 : memref<!tpu.dma_semaphore, #tpu.memory_space<semaphore_mem>>) src(%dma_wait3A_213 : memref<8x128xf32, #tpu.memory_space<vmem>>) dst(%dma_wait3A_209 : memref<8x128xf32, #tpu.memory_space<hbm>>)
    %dma_wait3A_214 = arith.constant 1 : i32
    %dma_wait3A_215 = arith.constant 0 : i32
    %dma_wait3A_216 = arith.constant 3 : i32
    %dma_wait3A_217 = arith.constant 0 : i32
    %dma_wait3A_218 = arith.constant 1 : i32
    %dma_wait3A_219 = arith.constant 24 : i32
    %dma_wait3A_220 = arith.constant 0 : i32
    %dma_wait3A_221 = tpu.memref_slice %arg9[%dma_wait3A_214, %dma_wait3A_219, %dma_wait3A_220] : memref<4x32x129xf32, #tpu.memory_space<vmem>> -> memref<1x8x128xf32, #tpu.memory_space<vmem>>
    %dma_wait3A_222 = tpu.memref_squeeze %dma_wait3A_221 : memref<1x8x128xf32, #tpu.memory_space<vmem>> -> memref<8x128xf32, #tpu.memory_space<vmem>>
    %dma_wait3A_223 = arith.constant 0 : i32
    %dma_wait3A_224 = arith.constant 0 : i32
    %dma_wait3A_225 = tpu.memref_slice %arg5[%dma_wait3A_215, %dma_wait3A_216, %dma_wait3A_217, %dma_wait3A_223, %dma_wait3A_224] : memref<200x4x32x8x128xf32, #tpu.memory_space<hbm>> -> memref<1x1x1x8x128xf32, #tpu.memory_space<hbm>>
    %dma_wait3A_226 = tpu.memref_squeeze %dma_wait3A_225 : memref<1x1x1x8x128xf32, #tpu.memory_space<hbm>> -> memref<8x128xf32, #tpu.memory_space<hbm>>
    %dma_wait3A_227 = tpu.memref_slice %arg11[%dma_wait3A_218] : memref<4x!tpu.dma_semaphore, #tpu.memory_space<semaphore_mem>> -> memref<1x!tpu.dma_semaphore, #tpu.memory_space<semaphore_mem>>
    %dma_wait3A_228 = tpu.memref_squeeze %dma_wait3A_227 : memref<1x!tpu.dma_semaphore, #tpu.memory_space<semaphore_mem>> -> memref<!tpu.dma_semaphore, #tpu.memory_space<semaphore_mem>>
    %dma_wait3A_229 = arith.constant 0 : i32
    %dma_wait3A_230 = arith.constant 0 : i32
    %dma_wait3A_231 = tpu.memref_slice %arg5[%dma_wait3A_215, %dma_wait3A_216, %dma_wait3A_217, %dma_wait3A_229, %dma_wait3A_230] : memref<200x4x32x8x128xf32, #tpu.memory_space<hbm>> -> memref<1x1x1x8x128xf32, #tpu.memory_space<hbm>>
    %dma_wait3A_232 = tpu.memref_squeeze %dma_wait3A_231 : memref<1x1x1x8x128xf32, #tpu.memory_space<hbm>> -> memref<8x128xf32, #tpu.memory_space<hbm>>
    %dma_wait3A_233 = arith.constant 24 : i32
    %dma_wait3A_234 = arith.constant 0 : i32
    %dma_wait3A_235 = tpu.memref_slice %arg9[%dma_wait3A_214, %dma_wait3A_233, %dma_wait3A_234] : memref<4x32x129xf32, #tpu.memory_space<vmem>> -> memref<1x8x128xf32, #tpu.memory_space<vmem>>
    %dma_wait3A_236 = tpu.memref_squeeze %dma_wait3A_235 : memref<1x8x128xf32, #tpu.memory_space<vmem>> -> memref<8x128xf32, #tpu.memory_space<vmem>>
    tpu.wait_dma2 semaphore(%dma_wait3A_228 : memref<!tpu.dma_semaphore, #tpu.memory_space<semaphore_mem>>) src(%dma_wait3A_236 : memref<8x128xf32, #tpu.memory_space<vmem>>) dst(%dma_wait3A_232 : memref<8x128xf32, #tpu.memory_space<hbm>>)
    %dma_wait3A_237 = arith.constant 2 : i32
    %dma_wait3A_238 = arith.constant 0 : i32
    %dma_wait3A_239 = arith.constant 0 : i32
    %dma_wait3A_240 = arith.constant 0 : i32
    %dma_wait3A_241 = arith.constant 2 : i32
    %dma_wait3A_242 = arith.constant 0 : i32
    %dma_wait3A_243 = arith.constant 0 : i32
    %dma_wait3A_244 = tpu.memref_slice %arg9[%dma_wait3A_237, %dma_wait3A_242, %dma_wait3A_243] : memref<4x32x129xf32, #tpu.memory_space<vmem>> -> memref<1x8x128xf32, #tpu.memory_space<vmem>>
    %dma_wait3A_245 = tpu.memref_squeeze %dma_wait3A_244 : memref<1x8x128xf32, #tpu.memory_space<vmem>> -> memref<8x128xf32, #tpu.memory_space<vmem>>
    %dma_wait3A_246 = arith.constant 0 : i32
    %dma_wait3A_247 = arith.constant 0 : i32
    %dma_wait3A_248 = tpu.memref_slice %arg5[%dma_wait3A_238, %dma_wait3A_239, %dma_wait3A_240, %dma_wait3A_246, %dma_wait3A_247] : memref<200x4x32x8x128xf32, #tpu.memory_space<hbm>> -> memref<1x1x1x8x128xf32, #tpu.memory_space<hbm>>
    %dma_wait3A_249 = tpu.memref_squeeze %dma_wait3A_248 : memref<1x1x1x8x128xf32, #tpu.memory_space<hbm>> -> memref<8x128xf32, #tpu.memory_space<hbm>>
    %dma_wait3A_250 = tpu.memref_slice %arg11[%dma_wait3A_241] : memref<4x!tpu.dma_semaphore, #tpu.memory_space<semaphore_mem>> -> memref<1x!tpu.dma_semaphore, #tpu.memory_space<semaphore_mem>>
    %dma_wait3A_251 = tpu.memref_squeeze %dma_wait3A_250 : memref<1x!tpu.dma_semaphore, #tpu.memory_space<semaphore_mem>> -> memref<!tpu.dma_semaphore, #tpu.memory_space<semaphore_mem>>
    %dma_wait3A_252 = arith.constant 0 : i32
    %dma_wait3A_253 = arith.constant 0 : i32
    %dma_wait3A_254 = tpu.memref_slice %arg5[%dma_wait3A_238, %dma_wait3A_239, %dma_wait3A_240, %dma_wait3A_252, %dma_wait3A_253] : memref<200x4x32x8x128xf32, #tpu.memory_space<hbm>> -> memref<1x1x1x8x128xf32, #tpu.memory_space<hbm>>
    %dma_wait3A_255 = tpu.memref_squeeze %dma_wait3A_254 : memref<1x1x1x8x128xf32, #tpu.memory_space<hbm>> -> memref<8x128xf32, #tpu.memory_space<hbm>>
    %dma_wait3A_256 = arith.constant 0 : i32
    %dma_wait3A_257 = arith.constant 0 : i32
    %dma_wait3A_258 = tpu.memref_slice %arg9[%dma_wait3A_237, %dma_wait3A_256, %dma_wait3A_257] : memref<4x32x129xf32, #tpu.memory_space<vmem>> -> memref<1x8x128xf32, #tpu.memory_space<vmem>>
    %dma_wait3A_259 = tpu.memref_squeeze %dma_wait3A_258 : memref<1x8x128xf32, #tpu.memory_space<vmem>> -> memref<8x128xf32, #tpu.memory_space<vmem>>
    tpu.wait_dma2 semaphore(%dma_wait3A_251 : memref<!tpu.dma_semaphore, #tpu.memory_space<semaphore_mem>>) src(%dma_wait3A_259 : memref<8x128xf32, #tpu.memory_space<vmem>>) dst(%dma_wait3A_255 : memref<8x128xf32, #tpu.memory_space<hbm>>)
    %dma_wait3A_260 = arith.constant 2 : i32
    %dma_wait3A_261 = arith.constant 0 : i32
    %dma_wait3A_262 = arith.constant 1 : i32
    %dma_wait3A_263 = arith.constant 0 : i32
    %dma_wait3A_264 = arith.constant 2 : i32
    %dma_wait3A_265 = arith.constant 8 : i32
    %dma_wait3A_266 = arith.constant 0 : i32
    %dma_wait3A_267 = tpu.memref_slice %arg9[%dma_wait3A_260, %dma_wait3A_265, %dma_wait3A_266] : memref<4x32x129xf32, #tpu.memory_space<vmem>> -> memref<1x8x128xf32, #tpu.memory_space<vmem>>
    %dma_wait3A_268 = tpu.memref_squeeze %dma_wait3A_267 : memref<1x8x128xf32, #tpu.memory_space<vmem>> -> memref<8x128xf32, #tpu.memory_space<vmem>>
    %dma_wait3A_269 = arith.constant 0 : i32
    %dma_wait3A_270 = arith.constant 0 : i32
    %dma_wait3A_271 = tpu.memref_slice %arg5[%dma_wait3A_261, %dma_wait3A_262, %dma_wait3A_263, %dma_wait3A_269, %dma_wait3A_270] : memref<200x4x32x8x128xf32, #tpu.memory_space<hbm>> -> memref<1x1x1x8x128xf32, #tpu.memory_space<hbm>>
    %dma_wait3A_272 = tpu.memref_squeeze %dma_wait3A_271 : memref<1x1x1x8x128xf32, #tpu.memory_space<hbm>> -> memref<8x128xf32, #tpu.memory_space<hbm>>
    %dma_wait3A_273 = tpu.memref_slice %arg11[%dma_wait3A_264] : memref<4x!tpu.dma_semaphore, #tpu.memory_space<semaphore_mem>> -> memref<1x!tpu.dma_semaphore, #tpu.memory_space<semaphore_mem>>
    %dma_wait3A_274 = tpu.memref_squeeze %dma_wait3A_273 : memref<1x!tpu.dma_semaphore, #tpu.memory_space<semaphore_mem>> -> memref<!tpu.dma_semaphore, #tpu.memory_space<semaphore_mem>>
    %dma_wait3A_275 = arith.constant 0 : i32
    %dma_wait3A_276 = arith.constant 0 : i32
    %dma_wait3A_277 = tpu.memref_slice %arg5[%dma_wait3A_261, %dma_wait3A_262, %dma_wait3A_263, %dma_wait3A_275, %dma_wait3A_276] : memref<200x4x32x8x128xf32, #tpu.memory_space<hbm>> -> memref<1x1x1x8x128xf32, #tpu.memory_space<hbm>>
    %dma_wait3A_278 = tpu.memref_squeeze %dma_wait3A_277 : memref<1x1x1x8x128xf32, #tpu.memory_space<hbm>> -> memref<8x128xf32, #tpu.memory_space<hbm>>
    %dma_wait3A_279 = arith.constant 8 : i32
    %dma_wait3A_280 = arith.constant 0 : i32
    %dma_wait3A_281 = tpu.memref_slice %arg9[%dma_wait3A_260, %dma_wait3A_279, %dma_wait3A_280] : memref<4x32x129xf32, #tpu.memory_space<vmem>> -> memref<1x8x128xf32, #tpu.memory_space<vmem>>
    %dma_wait3A_282 = tpu.memref_squeeze %dma_wait3A_281 : memref<1x8x128xf32, #tpu.memory_space<vmem>> -> memref<8x128xf32, #tpu.memory_space<vmem>>
    tpu.wait_dma2 semaphore(%dma_wait3A_274 : memref<!tpu.dma_semaphore, #tpu.memory_space<semaphore_mem>>) src(%dma_wait3A_282 : memref<8x128xf32, #tpu.memory_space<vmem>>) dst(%dma_wait3A_278 : memref<8x128xf32, #tpu.memory_space<hbm>>)
    %dma_wait3A_283 = arith.constant 2 : i32
    %dma_wait3A_284 = arith.constant 0 : i32
    %dma_wait3A_285 = arith.constant 2 : i32
    %dma_wait3A_286 = arith.constant 0 : i32
    %dma_wait3A_287 = arith.constant 2 : i32
    %dma_wait3A_288 = arith.constant 16 : i32
    %dma_wait3A_289 = arith.constant 0 : i32
    %dma_wait3A_290 = tpu.memref_slice %arg9[%dma_wait3A_283, %dma_wait3A_288, %dma_wait3A_289] : memref<4x32x129xf32, #tpu.memory_space<vmem>> -> memref<1x8x128xf32, #tpu.memory_space<vmem>>
    %dma_wait3A_291 = tpu.memref_squeeze %dma_wait3A_290 : memref<1x8x128xf32, #tpu.memory_space<vmem>> -> memref<8x128xf32, #tpu.memory_space<vmem>>
    %dma_wait3A_292 = arith.constant 0 : i32
    %dma_wait3A_293 = arith.constant 0 : i32
    %dma_wait3A_294 = tpu.memref_slice %arg5[%dma_wait3A_284, %dma_wait3A_285, %dma_wait3A_286, %dma_wait3A_292, %dma_wait3A_293] : memref<200x4x32x8x128xf32, #tpu.memory_space<hbm>> -> memref<1x1x1x8x128xf32, #tpu.memory_space<hbm>>
    %dma_wait3A_295 = tpu.memref_squeeze %dma_wait3A_294 : memref<1x1x1x8x128xf32, #tpu.memory_space<hbm>> -> memref<8x128xf32, #tpu.memory_space<hbm>>
    %dma_wait3A_296 = tpu.memref_slice %arg11[%dma_wait3A_287] : memref<4x!tpu.dma_semaphore, #tpu.memory_space<semaphore_mem>> -> memref<1x!tpu.dma_semaphore, #tpu.memory_space<semaphore_mem>>
    %dma_wait3A_297 = tpu.memref_squeeze %dma_wait3A_296 : memref<1x!tpu.dma_semaphore, #tpu.memory_space<semaphore_mem>> -> memref<!tpu.dma_semaphore, #tpu.memory_space<semaphore_mem>>
    %dma_wait3A_298 = arith.constant 0 : i32
    %dma_wait3A_299 = arith.constant 0 : i32
    %dma_wait3A_300 = tpu.memref_slice %arg5[%dma_wait3A_284, %dma_wait3A_285, %dma_wait3A_286, %dma_wait3A_298, %dma_wait3A_299] : memref<200x4x32x8x128xf32, #tpu.memory_space<hbm>> -> memref<1x1x1x8x128xf32, #tpu.memory_space<hbm>>
    %dma_wait3A_301 = tpu.memref_squeeze %dma_wait3A_300 : memref<1x1x1x8x128xf32, #tpu.memory_space<hbm>> -> memref<8x128xf32, #tpu.memory_space<hbm>>
    %dma_wait3A_302 = arith.constant 16 : i32
    %dma_wait3A_303 = arith.constant 0 : i32
    %dma_wait3A_304 = tpu.memref_slice %arg9[%dma_wait3A_283, %dma_wait3A_302, %dma_wait3A_303] : memref<4x32x129xf32, #tpu.memory_space<vmem>> -> memref<1x8x128xf32, #tpu.memory_space<vmem>>
    %dma_wait3A_305 = tpu.memref_squeeze %dma_wait3A_304 : memref<1x8x128xf32, #tpu.memory_space<vmem>> -> memref<8x128xf32, #tpu.memory_space<vmem>>
    tpu.wait_dma2 semaphore(%dma_wait3A_297 : memref<!tpu.dma_semaphore, #tpu.memory_space<semaphore_mem>>) src(%dma_wait3A_305 : memref<8x128xf32, #tpu.memory_space<vmem>>) dst(%dma_wait3A_301 : memref<8x128xf32, #tpu.memory_space<hbm>>)
    %dma_wait3A_306 = arith.constant 2 : i32
    %dma_wait3A_307 = arith.constant 0 : i32
    %dma_wait3A_308 = arith.constant 3 : i32
    %dma_wait3A_309 = arith.constant 0 : i32
    %dma_wait3A_310 = arith.constant 2 : i32
    %dma_wait3A_311 = arith.constant 24 : i32
    %dma_wait3A_312 = arith.constant 0 : i32
    %dma_wait3A_313 = tpu.memref_slice %arg9[%dma_wait3A_306, %dma_wait3A_311, %dma_wait3A_312] : memref<4x32x129xf32, #tpu.memory_space<vmem>> -> memref<1x8x128xf32, #tpu.memory_space<vmem>>
    %dma_wait3A_314 = tpu.memref_squeeze %dma_wait3A_313 : memref<1x8x128xf32, #tpu.memory_space<vmem>> -> memref<8x128xf32, #tpu.memory_space<vmem>>
    %dma_wait3A_315 = arith.constant 0 : i32
    %dma_wait3A_316 = arith.constant 0 : i32
    %dma_wait3A_317 = tpu.memref_slice %arg5[%dma_wait3A_307, %dma_wait3A_308, %dma_wait3A_309, %dma_wait3A_315, %dma_wait3A_316] : memref<200x4x32x8x128xf32, #tpu.memory_space<hbm>> -> memref<1x1x1x8x128xf32, #tpu.memory_space<hbm>>
    %dma_wait3A_318 = tpu.memref_squeeze %dma_wait3A_317 : memref<1x1x1x8x128xf32, #tpu.memory_space<hbm>> -> memref<8x128xf32, #tpu.memory_space<hbm>>
    %dma_wait3A_319 = tpu.memref_slice %arg11[%dma_wait3A_310] : memref<4x!tpu.dma_semaphore, #tpu.memory_space<semaphore_mem>> -> memref<1x!tpu.dma_semaphore, #tpu.memory_space<semaphore_mem>>
    %dma_wait3A_320 = tpu.memref_squeeze %dma_wait3A_319 : memref<1x!tpu.dma_semaphore, #tpu.memory_space<semaphore_mem>> -> memref<!tpu.dma_semaphore, #tpu.memory_space<semaphore_mem>>
    %dma_wait3A_321 = arith.constant 0 : i32
    %dma_wait3A_322 = arith.constant 0 : i32
    %dma_wait3A_323 = tpu.memref_slice %arg5[%dma_wait3A_307, %dma_wait3A_308, %dma_wait3A_309, %dma_wait3A_321, %dma_wait3A_322] : memref<200x4x32x8x128xf32, #tpu.memory_space<hbm>> -> memref<1x1x1x8x128xf32, #tpu.memory_space<hbm>>
    %dma_wait3A_324 = tpu.memref_squeeze %dma_wait3A_323 : memref<1x1x1x8x128xf32, #tpu.memory_space<hbm>> -> memref<8x128xf32, #tpu.memory_space<hbm>>
    %dma_wait3A_325 = arith.constant 24 : i32
    %dma_wait3A_326 = arith.constant 0 : i32
    %dma_wait3A_327 = tpu.memref_slice %arg9[%dma_wait3A_306, %dma_wait3A_325, %dma_wait3A_326] : memref<4x32x129xf32, #tpu.memory_space<vmem>> -> memref<1x8x128xf32, #tpu.memory_space<vmem>>
    %dma_wait3A_328 = tpu.memref_squeeze %dma_wait3A_327 : memref<1x8x128xf32, #tpu.memory_space<vmem>> -> memref<8x128xf32, #tpu.memory_space<vmem>>
    tpu.wait_dma2 semaphore(%dma_wait3A_320 : memref<!tpu.dma_semaphore, #tpu.memory_space<semaphore_mem>>) src(%dma_wait3A_328 : memref<8x128xf32, #tpu.memory_space<vmem>>) dst(%dma_wait3A_324 : memref<8x128xf32, #tpu.memory_space<hbm>>)
    %dma_wait3A_329 = arith.constant 3 : i32
    %dma_wait3A_330 = arith.constant 0 : i32
    %dma_wait3A_331 = arith.constant 0 : i32
    %dma_wait3A_332 = arith.constant 0 : i32
    %dma_wait3A_333 = arith.constant 3 : i32
    %dma_wait3A_334 = arith.constant 0 : i32
    %dma_wait3A_335 = arith.constant 0 : i32
    %dma_wait3A_336 = tpu.memref_slice %arg9[%dma_wait3A_329, %dma_wait3A_334, %dma_wait3A_335] : memref<4x32x129xf32, #tpu.memory_space<vmem>> -> memref<1x8x128xf32, #tpu.memory_space<vmem>>
    %dma_wait3A_337 = tpu.memref_squeeze %dma_wait3A_336 : memref<1x8x128xf32, #tpu.memory_space<vmem>> -> memref<8x128xf32, #tpu.memory_space<vmem>>
    %dma_wait3A_338 = arith.constant 0 : i32
    %dma_wait3A_339 = arith.constant 0 : i32
    %dma_wait3A_340 = tpu.memref_slice %arg5[%dma_wait3A_330, %dma_wait3A_331, %dma_wait3A_332, %dma_wait3A_338, %dma_wait3A_339] : memref<200x4x32x8x128xf32, #tpu.memory_space<hbm>> -> memref<1x1x1x8x128xf32, #tpu.memory_space<hbm>>
    %dma_wait3A_341 = tpu.memref_squeeze %dma_wait3A_340 : memref<1x1x1x8x128xf32, #tpu.memory_space<hbm>> -> memref<8x128xf32, #tpu.memory_space<hbm>>
    %dma_wait3A_342 = tpu.memref_slice %arg11[%dma_wait3A_333] : memref<4x!tpu.dma_semaphore, #tpu.memory_space<semaphore_mem>> -> memref<1x!tpu.dma_semaphore, #tpu.memory_space<semaphore_mem>>
    %dma_wait3A_343 = tpu.memref_squeeze %dma_wait3A_342 : memref<1x!tpu.dma_semaphore, #tpu.memory_space<semaphore_mem>> -> memref<!tpu.dma_semaphore, #tpu.memory_space<semaphore_mem>>
    %dma_wait3A_344 = arith.constant 0 : i32
    %dma_wait3A_345 = arith.constant 0 : i32
    %dma_wait3A_346 = tpu.memref_slice %arg5[%dma_wait3A_330, %dma_wait3A_331, %dma_wait3A_332, %dma_wait3A_344, %dma_wait3A_345] : memref<200x4x32x8x128xf32, #tpu.memory_space<hbm>> -> memref<1x1x1x8x128xf32, #tpu.memory_space<hbm>>
    %dma_wait3A_347 = tpu.memref_squeeze %dma_wait3A_346 : memref<1x1x1x8x128xf32, #tpu.memory_space<hbm>> -> memref<8x128xf32, #tpu.memory_space<hbm>>
    %dma_wait3A_348 = arith.constant 0 : i32
    %dma_wait3A_349 = arith.constant 0 : i32
    %dma_wait3A_350 = tpu.memref_slice %arg9[%dma_wait3A_329, %dma_wait3A_348, %dma_wait3A_349] : memref<4x32x129xf32, #tpu.memory_space<vmem>> -> memref<1x8x128xf32, #tpu.memory_space<vmem>>
    %dma_wait3A_351 = tpu.memref_squeeze %dma_wait3A_350 : memref<1x8x128xf32, #tpu.memory_space<vmem>> -> memref<8x128xf32, #tpu.memory_space<vmem>>
    tpu.wait_dma2 semaphore(%dma_wait3A_343 : memref<!tpu.dma_semaphore, #tpu.memory_space<semaphore_mem>>) src(%dma_wait3A_351 : memref<8x128xf32, #tpu.memory_space<vmem>>) dst(%dma_wait3A_347 : memref<8x128xf32, #tpu.memory_space<hbm>>)
    %dma_wait3A_352 = arith.constant 3 : i32
    %dma_wait3A_353 = arith.constant 0 : i32
    %dma_wait3A_354 = arith.constant 1 : i32
    %dma_wait3A_355 = arith.constant 0 : i32
    %dma_wait3A_356 = arith.constant 3 : i32
    %dma_wait3A_357 = arith.constant 8 : i32
    %dma_wait3A_358 = arith.constant 0 : i32
    %dma_wait3A_359 = tpu.memref_slice %arg9[%dma_wait3A_352, %dma_wait3A_357, %dma_wait3A_358] : memref<4x32x129xf32, #tpu.memory_space<vmem>> -> memref<1x8x128xf32, #tpu.memory_space<vmem>>
    %dma_wait3A_360 = tpu.memref_squeeze %dma_wait3A_359 : memref<1x8x128xf32, #tpu.memory_space<vmem>> -> memref<8x128xf32, #tpu.memory_space<vmem>>
    %dma_wait3A_361 = arith.constant 0 : i32
    %dma_wait3A_362 = arith.constant 0 : i32
    %dma_wait3A_363 = tpu.memref_slice %arg5[%dma_wait3A_353, %dma_wait3A_354, %dma_wait3A_355, %dma_wait3A_361, %dma_wait3A_362] : memref<200x4x32x8x128xf32, #tpu.memory_space<hbm>> -> memref<1x1x1x8x128xf32, #tpu.memory_space<hbm>>
    %dma_wait3A_364 = tpu.memref_squeeze %dma_wait3A_363 : memref<1x1x1x8x128xf32, #tpu.memory_space<hbm>> -> memref<8x128xf32, #tpu.memory_space<hbm>>
    %dma_wait3A_365 = tpu.memref_slice %arg11[%dma_wait3A_356] : memref<4x!tpu.dma_semaphore, #tpu.memory_space<semaphore_mem>> -> memref<1x!tpu.dma_semaphore, #tpu.memory_space<semaphore_mem>>
    %dma_wait3A_366 = tpu.memref_squeeze %dma_wait3A_365 : memref<1x!tpu.dma_semaphore, #tpu.memory_space<semaphore_mem>> -> memref<!tpu.dma_semaphore, #tpu.memory_space<semaphore_mem>>
    %dma_wait3A_367 = arith.constant 0 : i32
    %dma_wait3A_368 = arith.constant 0 : i32
    %dma_wait3A_369 = tpu.memref_slice %arg5[%dma_wait3A_353, %dma_wait3A_354, %dma_wait3A_355, %dma_wait3A_367, %dma_wait3A_368] : memref<200x4x32x8x128xf32, #tpu.memory_space<hbm>> -> memref<1x1x1x8x128xf32, #tpu.memory_space<hbm>>
    %dma_wait3A_370 = tpu.memref_squeeze %dma_wait3A_369 : memref<1x1x1x8x128xf32, #tpu.memory_space<hbm>> -> memref<8x128xf32, #tpu.memory_space<hbm>>
    %dma_wait3A_371 = arith.constant 8 : i32
    %dma_wait3A_372 = arith.constant 0 : i32
    %dma_wait3A_373 = tpu.memref_slice %arg9[%dma_wait3A_352, %dma_wait3A_371, %dma_wait3A_372] : memref<4x32x129xf32, #tpu.memory_space<vmem>> -> memref<1x8x128xf32, #tpu.memory_space<vmem>>
    %dma_wait3A_374 = tpu.memref_squeeze %dma_wait3A_373 : memref<1x8x128xf32, #tpu.memory_space<vmem>> -> memref<8x128xf32, #tpu.memory_space<vmem>>
    tpu.wait_dma2 semaphore(%dma_wait3A_366 : memref<!tpu.dma_semaphore, #tpu.memory_space<semaphore_mem>>) src(%dma_wait3A_374 : memref<8x128xf32, #tpu.memory_space<vmem>>) dst(%dma_wait3A_370 : memref<8x128xf32, #tpu.memory_space<hbm>>)
    %dma_wait3A_375 = arith.constant 3 : i32
    %dma_wait3A_376 = arith.constant 0 : i32
    %dma_wait3A_377 = arith.constant 2 : i32
    %dma_wait3A_378 = arith.constant 0 : i32
    %dma_wait3A_379 = arith.constant 3 : i32
    %dma_wait3A_380 = arith.constant 16 : i32
    %dma_wait3A_381 = arith.constant 0 : i32
    %dma_wait3A_382 = tpu.memref_slice %arg9[%dma_wait3A_375, %dma_wait3A_380, %dma_wait3A_381] : memref<4x32x129xf32, #tpu.memory_space<vmem>> -> memref<1x8x128xf32, #tpu.memory_space<vmem>>
    %dma_wait3A_383 = tpu.memref_squeeze %dma_wait3A_382 : memref<1x8x128xf32, #tpu.memory_space<vmem>> -> memref<8x128xf32, #tpu.memory_space<vmem>>
    %dma_wait3A_384 = arith.constant 0 : i32
    %dma_wait3A_385 = arith.constant 0 : i32
    %dma_wait3A_386 = tpu.memref_slice %arg5[%dma_wait3A_376, %dma_wait3A_377, %dma_wait3A_378, %dma_wait3A_384, %dma_wait3A_385] : memref<200x4x32x8x128xf32, #tpu.memory_space<hbm>> -> memref<1x1x1x8x128xf32, #tpu.memory_space<hbm>>
    %dma_wait3A_387 = tpu.memref_squeeze %dma_wait3A_386 : memref<1x1x1x8x128xf32, #tpu.memory_space<hbm>> -> memref<8x128xf32, #tpu.memory_space<hbm>>
    %dma_wait3A_388 = tpu.memref_slice %arg11[%dma_wait3A_379] : memref<4x!tpu.dma_semaphore, #tpu.memory_space<semaphore_mem>> -> memref<1x!tpu.dma_semaphore, #tpu.memory_space<semaphore_mem>>
    %dma_wait3A_389 = tpu.memref_squeeze %dma_wait3A_388 : memref<1x!tpu.dma_semaphore, #tpu.memory_space<semaphore_mem>> -> memref<!tpu.dma_semaphore, #tpu.memory_space<semaphore_mem>>
    %dma_wait3A_390 = arith.constant 0 : i32
    %dma_wait3A_391 = arith.constant 0 : i32
    %dma_wait3A_392 = tpu.memref_slice %arg5[%dma_wait3A_376, %dma_wait3A_377, %dma_wait3A_378, %dma_wait3A_390, %dma_wait3A_391] : memref<200x4x32x8x128xf32, #tpu.memory_space<hbm>> -> memref<1x1x1x8x128xf32, #tpu.memory_space<hbm>>
    %dma_wait3A_393 = tpu.memref_squeeze %dma_wait3A_392 : memref<1x1x1x8x128xf32, #tpu.memory_space<hbm>> -> memref<8x128xf32, #tpu.memory_space<hbm>>
    %dma_wait3A_394 = arith.constant 16 : i32
    %dma_wait3A_395 = arith.constant 0 : i32
    %dma_wait3A_396 = tpu.memref_slice %arg9[%dma_wait3A_375, %dma_wait3A_394, %dma_wait3A_395] : memref<4x32x129xf32, #tpu.memory_space<vmem>> -> memref<1x8x128xf32, #tpu.memory_space<vmem>>
    %dma_wait3A_397 = tpu.memref_squeeze %dma_wait3A_396 : memref<1x8x128xf32, #tpu.memory_space<vmem>> -> memref<8x128xf32, #tpu.memory_space<vmem>>
    tpu.wait_dma2 semaphore(%dma_wait3A_389 : memref<!tpu.dma_semaphore, #tpu.memory_space<semaphore_mem>>) src(%dma_wait3A_397 : memref<8x128xf32, #tpu.memory_space<vmem>>) dst(%dma_wait3A_393 : memref<8x128xf32, #tpu.memory_space<hbm>>)
    %dma_wait3A_398 = arith.constant 3 : i32
    %dma_wait3A_399 = arith.constant 0 : i32
    %dma_wait3A_400 = arith.constant 3 : i32
    %dma_wait3A_401 = arith.constant 0 : i32
    %dma_wait3A_402 = arith.constant 3 : i32
    %dma_wait3A_403 = arith.constant 24 : i32
    %dma_wait3A_404 = arith.constant 0 : i32
    %dma_wait3A_405 = tpu.memref_slice %arg9[%dma_wait3A_398, %dma_wait3A_403, %dma_wait3A_404] : memref<4x32x129xf32, #tpu.memory_space<vmem>> -> memref<1x8x128xf32, #tpu.memory_space<vmem>>
    %dma_wait3A_406 = tpu.memref_squeeze %dma_wait3A_405 : memref<1x8x128xf32, #tpu.memory_space<vmem>> -> memref<8x128xf32, #tpu.memory_space<vmem>>
    %dma_wait3A_407 = arith.constant 0 : i32
    %dma_wait3A_408 = arith.constant 0 : i32
    %dma_wait3A_409 = tpu.memref_slice %arg5[%dma_wait3A_399, %dma_wait3A_400, %dma_wait3A_401, %dma_wait3A_407, %dma_wait3A_408] : memref<200x4x32x8x128xf32, #tpu.memory_space<hbm>> -> memref<1x1x1x8x128xf32, #tpu.memory_space<hbm>>
    %dma_wait3A_410 = tpu.memref_squeeze %dma_wait3A_409 : memref<1x1x1x8x128xf32, #tpu.memory_space<hbm>> -> memref<8x128xf32, #tpu.memory_space<hbm>>
    %dma_wait3A_411 = tpu.memref_slice %arg11[%dma_wait3A_402] : memref<4x!tpu.dma_semaphore, #tpu.memory_space<semaphore_mem>> -> memref<1x!tpu.dma_semaphore, #tpu.memory_space<semaphore_mem>>
    %dma_wait3A_412 = tpu.memref_squeeze %dma_wait3A_411 : memref<1x!tpu.dma_semaphore, #tpu.memory_space<semaphore_mem>> -> memref<!tpu.dma_semaphore, #tpu.memory_space<semaphore_mem>>
    %dma_wait3A_413 = arith.constant 0 : i32
    %dma_wait3A_414 = arith.constant 0 : i32
    %dma_wait3A_415 = tpu.memref_slice %arg5[%dma_wait3A_399, %dma_wait3A_400, %dma_wait3A_401, %dma_wait3A_413, %dma_wait3A_414] : memref<200x4x32x8x128xf32, #tpu.memory_space<hbm>> -> memref<1x1x1x8x128xf32, #tpu.memory_space<hbm>>
    %dma_wait3A_416 = tpu.memref_squeeze %dma_wait3A_415 : memref<1x1x1x8x128xf32, #tpu.memory_space<hbm>> -> memref<8x128xf32, #tpu.memory_space<hbm>>
    %dma_wait3A_417 = arith.constant 24 : i32
    %dma_wait3A_418 = arith.constant 0 : i32
    %dma_wait3A_419 = tpu.memref_slice %arg9[%dma_wait3A_398, %dma_wait3A_417, %dma_wait3A_418] : memref<4x32x129xf32, #tpu.memory_space<vmem>> -> memref<1x8x128xf32, #tpu.memory_space<vmem>>
    %dma_wait3A_420 = tpu.memref_squeeze %dma_wait3A_419 : memref<1x8x128xf32, #tpu.memory_space<vmem>> -> memref<8x128xf32, #tpu.memory_space<vmem>>
    tpu.wait_dma2 semaphore(%dma_wait3A_412 : memref<!tpu.dma_semaphore, #tpu.memory_space<semaphore_mem>>) src(%dma_wait3A_420 : memref<8x128xf32, #tpu.memory_space<vmem>>) dst(%dma_wait3A_416 : memref<8x128xf32, #tpu.memory_space<hbm>>)
    return
  }
}

</mosaic_0001>

<sc_bundles>
// kernel: kernel.3.cloned.1.call-start
scs
__scs_entry_jumppad:
0x0: {  	(pc) =	sbr.rel $0x88, $3  }
0x1: {  	(tag) =	ssettag $0x0;
	lr =	simm.s32 $0x1  }
0x2: {  	[smem:$0x3F9E] =	sst lr;
	_ =	strace $0xD0000000  }
0x3: {  	_ = 	snop  }
0x4: {  	_ = 	snop  }
0x5: {  	_ = 	snop  }
0x6: {  	_ = 	snop  }
0x7: {  	_ = 	snop  }
__scs_overlays_trampoline_lowered:
0x8: {  	[smem:$0x3FAD] =	sst s0  }
0x9: {  	[smem:$0x3FAE] =	sst s1  }
0xa: {  	[smem:$0x3FAF] =	sst s2  }
0xb: {  	[smem:$0x3FB0] =	sst s3  }
0xc: {  	[smem:$0x3FB1] =	sst s4  }
0xd: {  	[smem:$0x3FB2] =	sst s5  }
0xe: {  	[smem:$0x3FB3] =	sst s6  }
0xf: {  	[smem:$0x3FB4] =	sst s7  }
0x10: {  	[smem:$0x3FB5] =	sst s8  }
0x11: {  	[smem:$0x3FB6] =	sst s9;
	s0 =	simm.s32 @!p0 $0x0  }
0x12: {  	s1 =	sld [smem:$0x3F9C];
	s0 =	simm.s32 @p0 $0x1  }
0x13: {  	[smem:$0x3FB7] =	sst s0;
	s0 =	simm.s32 @!p1 $0x0  }
0x14: {  	s2 =	sld [smem:$0x3F9B];
	s0 =	simm.s32 @p1 $0x1  }
0x15: {  	[smem:$0x3FB8] =	sst s0;
	s0 =	simm.s32 @!p2 $0x0  }
0x16: {  	s3 =	sld [smem:$0x3FDB];
	s0 =	simm.s32 @p2 $0x1  }
0x17: {  	s4 =	simm.s32 $0x1BF5;
	[smem:$0x3FBA] =	sst s0  }
0x18: {  	s0 =	sld [smem:$0x3F9D];
	_ =	swait.ge [sflag:s4], $0x0  }
0x19: {  	s7 =	sld [smem:$0x3F9E]  }
0x1a: {  	s8 =	sadd.s32 $0xFFFFE003, lr  }
0x1b: {  	s9 =	sadd.s32 $0xFFFFFEF7, lr;
	s5 =	simm.s32 $0xFFFFFFFF;
	p2 =	slt.u32 s8, $0xFFFFF086  }
0x1c: {  	p1 =	slt.u32 s9, $0xF7A;
	s5 =	simm.s32 @!p2 $0x0  }
0x1d: {  	s5 =	simm.s32 @p1 $0x1;
	p0 =	seq.s32 s7, s2  }
0x1e: {  	s7 =	smul.u32 @!p0 $0xF7A, s2;
	p2 =	seq.s32 @!p0 s5, $0x0  }
0x1f: {  	s9 =	smul.u32 $0xF7A, s1;
	s8 =	simm.s32 @!p0 $0x1BF5;
	p2 =	por !p2, p0  }
0x20: {  	[sflag:s8] =	ssyncset.s32 @!p0 $0xFFFFF086;
	s6 =	sadd.s32 @!p0 s3, s7;
	s7 =	simm.s32 @!p0 $0x108  }
0x21: {  	s3 =	sadd.s32 s3, s9;
	s6 =	sadd.s32 @!p0 $0x88, s6;
	s7 =	simm.s32 @p2 $0x1082  }
0x22: {  	[simem:s7], [sflag:s8] =	dma.local @!p0 [hbm:s6], $0xF7A  }
0x23: {  	s9 =	sor.u32 $0xD0000000, s2;
	s6 =	simm.s32 $0x108;
	_ =	swait.ge @!p0 [sflag:s8], $0x0  }
0x24: {  	s3 =	sadd.s32 $0x88, s3;
	s6 =	simm.s32 @!p1 $0x1082;
	[sflag:s4] =	ssyncset.s32 $0xFFFFF086  }
0x25: {  	[simem:s6], [sflag:s4] =	dma.local [hbm:s3], $0xF7A  }
0x26: {  	[smem:$0x3F9E] =	sst s1;
	(tag) =	ssettag s2;
	_ =	strace s9  }
0x27: {  	s1 =	sld [smem:$0x3FAE]  }
0x28: {  	s2 =	sld [smem:$0x3FAF]  }
0x29: {  	s4 =	sld [smem:$0x3FB1]  }
0x2a: {  	p0 =	seq.s32 s5, $0x0;
	s5 =	sld [smem:$0x3FB2]  }
0x2b: {  	s6 =	sld [smem:$0x3FB3]  }
0x2c: {  	s7 =	sld [smem:$0x3FB4]  }
0x2d: {  	s3 =	simm.s32 $0x108;
	s8 =	sld [smem:$0x3FB5]  }
0x2e: {  	s3 =	simm.s32 @!p0 $0x1082;
	s9 =	sld [smem:$0x3FB6]  }
0x2f: {  	lr =	sadd.s32 s0, s3;
	s0 =	sld [smem:$0x3FAD]  }
0x30: {  	s3 =	sld [smem:$0x3FB0]  }
0x31: {  	[smem:$0x3FB9] =	sst s10  }
0x32: {  	s10 =	sld [smem:$0x3FB7];
	_ =	sdelay $0x3  }
0x33: {  	p0 =	seq.s32 s10, $0x1;
	s10 =	sld [smem:$0x3FB9];
	_ =	sdelay $0x3  }
0x34: {  	[smem:$0x3FB9] =	sst s10  }
0x35: {  	s10 =	sld [smem:$0x3FB8];
	_ =	sdelay $0x3  }
0x36: {  	p1 =	seq.s32 s10, $0x1;
	s10 =	sld [smem:$0x3FB9];
	_ =	sdelay $0x3  }
0x37: {  	[smem:$0x3FB9] =	sst s10  }
0x38: {  	s10 =	sld [smem:$0x3FBA]  }
0x39: {  	_ = 	snop;
	(pc) =	sbr.ind lr, $3  }
0x3a: {  	_ = 	snop  }
0x3b: {  	_ = 	snop  }
0x3c: {  	p2 =	seq.s32 s10, $0x1;
	s10 =	sld [smem:$0x3FB9]  }
0x3d: {  	_ =	shalt  }
0x3e: {  	_ =	shalt  }
0x3f: {  	_ =	shalt  }
0x40: {  	_ =	shalt  }
0x41: {  	_ =	shalt  }
0x42: {  	_ =	shalt  }
0x43: {  	_ =	shalt  }
0x44: {  	_ =	shalt  }
0x45: {  	_ =	shalt  }
0x46: {  	_ =	shalt  }
0x47: {  	_ =	shalt  }
0x48: {  	_ =	shalt  }
0x49: {  	_ =	shalt  }
0x4a: {  	_ =	shalt  }
0x4b: {  	_ =	shalt  }
0x4c: {  	_ =	shalt  }
0x4d: {  	_ =	shalt  }
0x4e: {  	_ =	shalt  }
0x4f: {  	_ =	shalt  }
0x50: {  	_ =	shalt  }
0x51: {  	_ =	shalt  }
0x52: {  	_ =	shalt  }
0x53: {  	_ =	shalt  }
0x54: {  	_ =	shalt  }
0x55: {  	_ =	shalt  }
0x56: {  	_ =	shalt  }
0x57: {  	_ =	shalt  }
0x58: {  	_ =	shalt  }
0x59: {  	_ =	shalt  }
0x5a: {  	_ =	shalt  }
0x5b: {  	_ =	shalt  }
0x5c: {  	_ =	shalt  }
0x5d: {  	_ =	shalt  }
0x5e: {  	_ =	shalt  }
0x5f: {  	_ =	shalt  }
0x60: {  	_ =	shalt  }
0x61: {  	_ =	shalt  }
0x62: {  	_ =	shalt  }
0x63: {  	_ =	shalt  }
0x64: {  	_ =	shalt  }
0x65: {  	_ =	shalt  }
0x66: {  	_ =	shalt  }
0x67: {  	_ =	shalt  }
0x68: {  	_ =	shalt  }
0x69: {  	_ =	shalt  }
0x6a: {  	_ =	shalt  }
0x6b: {  	_ =	shalt  }
0x6c: {  	_ =	shalt  }
0x6d: {  	_ =	shalt  }
0x6e: {  	_ =	shalt  }
0x6f: {  	_ =	shalt  }
0x70: {  	_ =	shalt  }
0x71: {  	_ =	shalt  }
0x72: {  	_ =	shalt  }
0x73: {  	_ =	shalt  }
0x74: {  	_ =	shalt  }
0x75: {  	_ =	shalt  }
0x76: {  	_ =	shalt  }
0x77: {  	_ =	shalt  }
0x78: {  	_ =	shalt  }
0x79: {  	_ =	shalt  }
0x7a: {  	_ =	shalt  }
0x7b: {  	_ =	shalt  }
0x7c: {  	_ =	shalt  }
0x7d: {  	_ =	shalt  }
0x7e: {  	_ =	shalt  }
0x7f: {  	_ =	shalt  }
0x80: {  	_ =	shalt  }
0x81: {  	_ =	shalt  }
0x82: {  	_ =	shalt  }
0x83: {  	_ =	shalt  }
0x84: {  	_ =	shalt  }
0x85: {  	_ =	shalt  }
0x86: {  	_ =	shalt  }
0x87: {  	_ =	shalt  }
.Lfunc_end0:
.L_simem_size_0:
called_computation.1_lowered:
.L_overlay_start_0:
0x88: {  	s2 =	sld [smem:$0x3FD9]  }
0x89: {  	s3 =	sld [smem:$0x3FFE];
	_ =	sdelay $0x1  }
0x8a: {  	s1 =	srdreg.scid  }
0x8b: {  	s0 =	sand.u32 $0x1, s1  }
0x8c: {  	s17 =	sshll.u32 s0, $0xA;
	s2 =	sadd.s32 s3, s2  }
0x8d: {  	s2 =	sadd.s32 s2, s17  }
0x8e: {  	[smem:$0x3FC5] =	sst s2  }
0x8f: {  	_ = 	snop  }
0x90: {  	s2 =	sld [smem:$0x3FD0];
	(tm) =	ssettm $0x1  }
0x91: {  	s18 =	sld [smem:$0x3FFB];
	_ =	sdelay $0x3  }
0x92: {  	_ =	strace s18  }
0x93: {  	s3 =	sld [smem:$0x3FFC];
	_ =	sdelay $0x3  }
0x94: {  	_ =	strace s3  }
0x95: {  	s3 =	sld [smem:$0x3FFD];
	_ =	sdelay $0x3  }
0x96: {  	_ =	strace s3  }
0x97: {  	_ =	strace $0x8FFFFFFF  }
0x98: {  	s19 =	sld [smem:$0x3FDB];
	_ =	sdelay $0x1  }
0x99: {  	s4 =	simm.s32 $_scs_section_size  }
0x9a: {  	s5 =	simm.s32 $_size__tile_overlayer_lowered;
	s6 =	simm.s32 $_tile_overlayer_lowered  }
0x9b: {  	s22 =	simm.s32 $0x1BFF;
	s21 =	sshll.u32 s6, $0x1;
	s3 =	sadd.s32 s4, s19  }
0x9c: {  	s7 =	simm.s32 $0x0;
	s20 =	sshll.u32 s5, $0x1;
	s5 =	sadd.s32 s21, s3  }
0x9d: {  	[timem:s7], [sflag:s22] =	dma.local [hbm:s5], s20  }
0x9e: {  	_ =	swait.ge [sflag:s22], s20  }
0x9f: {  	s4 =	ssub.s32 $0x0, s20;
	[sflag:s22] =	ssyncset.done $0x0  }
0xa0: {  	[sflag:s22] =	ssyncadd.s32 s4;
	_ =	sdelay $0x1  }
0xa1: {  	s23 =	simm.s32 $0x1B8B  }
0xa2: {  	_ =	swait.ge [sflag:s23], $0x1  }
0xa3: {  	[sflag:s23] =	ssyncset.done $0x0  }
0xa4: {  	s25 =	simm.s32 $0x1B8E;
	s24 =	sld [smem:$0x3FFE];
	[sflag:s23] =	ssyncadd.s32 $0xFFFFFFFF  }
0xa5: {  	s26 =	simm.s32 $execute0_lowered;
	[smem:$0x3FD2] =	sst s25  }
0xa6: {  	s5 =	sshll.u32 s26, $0x1;
	_ =	strace $0x80000049;
	[dreg:$0x1] =	wrdreg $0xFFFFFFFF  }
0xa7: {  	s28 =	simm.s32 $_size_execute0_lowered;
	s3 =	sadd.s32 s3, s5;
	[dreg:$0x0] =	wrdreg $0x0  }
0xa8: {  	s5 =	sshll.u32 s28, $0x1;
	[dreg:$0x2] =	wrdreg s3  }
0xa9: {  	[dreg:$0x3] =	wrdreg s5  }
0xaa: {  	[dreg:$0x4] =	wrdreg $0xC0  }
0xab: {  	_ =	task [dreg:s7], $0x5FFFF  }
0xac: {  	[dreg:$0x1] =	wrdreg $0xFFFFFFFF  }
0xad: {  	[dreg:$0x0] =	wrdreg $0x60  }
0xae: {  	[dreg:$0x2] =	wrdreg s24  }
0xaf: {  	[dreg:$0x3] =	wrdreg s2  }
0xb0: {  	[dreg:$0x4] =	wrdreg $0x9  }
0xb1: {  	_ =	task.clear_ibuf [dreg:s7], $0x5FFFF;
	_ =	strace $0x90000049  }
0xb2: {  	s29 =	simm.s32 $0x9;
	_ =	strace $0x8000004B  }
0xb3: {  	_ =	swait.ge [sflag:s29], $0x1  }
0xb4: {  	[sflag:s29] =	ssyncadd.s32 $0xFFFFFFFF  }
0xb5: {  	_ =	strace $0x9000004B  }
0xb6: {  	_ =	sfence  }
0xb7: {  	s30 =	sld [smem:$0x0];
	_ =	sdelay $0x2  }
0xb8: {  	s31 =	sshll.u32 s1, $0xD;
	s1 =	sshrl.u32 s1, $0x2  }
0xb9: {  	s3 =	sand.u32 $0x4000, s31;
	s1 =	sadd.s32 s1, s30  }
0xba: {  	s0 =	sor.u32 s3, s0;
	s1 =	sshll.u32 s1, $0x11  }
0xbb: {  	s0 =	sor.u32 s1, s0  }
0xbc: {  	s0 =	sadd.s32 $0x8F2B, s0  }
0xbd: {  	[sflag:s0] =	ssyncadd.remote.s32 $0x1  }
0xbe: {  	_ =	sfence.sel $0xFFFF  }
0xbf: {  	[dreg:$0x0] =	wrdreg $0xFFFFFFFF;
	(pc) =	sbr.abs _section_cstart, $3  }
0xc0: {  	[dreg:$0x1] =	wrdreg $0xFFFFFFFF  }
0xc1: {  	_ =	task.clear_ibuf [dreg:s7], $0x2FFFF;
	_ =	strace $0x9FFFFFFF  }
0xc2: {  	(tm) =	ssettm $0x7FFFFFFF  }
0xc3: {  	_ =	shalt  }
tec
execute0_lowered:
.L_overlay_start_1:
0x0: {  	(tag) =	ssettag $0x1  }
0x1: {  	s1 =	srdreg.scid;
	s5 =	rddreg [dreg:$0x0]  }
0x2: {  	s0 =	stileid.u32;
	s2 =	rddreg [dreg:$0x1];
	s12 =	simm.s32 $0x9  }
0x3: {  	s13 =	simm.s32 $0x6400;
	s14 =	simm.s32 $0x80;
	s15 =	simm.s32 $0x7D00  }
0x4: {  	s16 =	simm.s32 $0x8D00;
	s17 =	simm.s32 $0x100;
	s18 =	simm.s32 $0x9D00  }
0x5: {  	s19 =	simm.s32 $0x5;
	s20 =	simm.s32 $0x6;
	s21 =	simm.s32 $0x7  }
0x6: {  	s22 =	simm.s32 $0x8;
	s23 =	simm.s32 $0x0;
	s1 =	sand.u32 $0x1, s1  }
0x7: {  	s3 =	sshll.u32 s0, $0x1;
	s9 =	sadd.s32 $0x2000, s2;
	s10 =	sadd.s32 $0x3000, s2  }
0x8: {  	s6 =	sor.u32 s1, s3;
	s3 =	simm.s32 $0x0;
	s1 =	ssub.s32 $0x2, s1  }
0x9: {  	v0 =	vlaneseq.u32;
	s4 =	smul.u32 $0xC80, s6;
	[smem:$0x7FF] =	sst s3;
	s8 =	sshrl.u32 s1, $0x1  }
0xa: {  	v0 =	vmul.u32 $0x88, v0;
	s6 =	smul.u32 $0xC8, s6;
	_ =	strace $0x8000004A;
	s1 =	ssub.s32 s1, s8  }
0xb: {  	s8 =	sadd.s32 $0x1000, s2;
	s7 =	sadd.s32 s4, s5;
	s4 =	sadd.s32 $0xF5C400, s5  }
0xc: {  	v1 =	vadd.s32 $0x880, v0;
	s5 =	sadd.s32 $0xF5C000, s5;
	s11 =	smax.u32 s1, $0x1;
	s7 =	sadd.s32 $0xF43000, s7  }
.LBB2_1:
0xd: {  	[tilespmem:s3], [sflag:$0x9] =	stream.linear.gather [hbm4b:s7+s3], $0x6400, $0x38;
	[tilespmem:$0x10100] =	vst v63  }
0xe: {  	_ =	swait.ge [sflag:s12], $0x6400  }
0xf: {  	[sflag:s12] =	ssyncset.done $0x0  }
0x10: {  	[sflag:s12] =	ssyncadd.s32 $0xFFFF9C00  }
0x11: {  	[tilespmem:s13], [sflag:$0x9] =	stream.linear.gather [hbm4b:s5+s3], $0x1900, $0x38;
	[tilespmem:$0x10100] =	vst v63  }
0x12: {  	_ =	swait.ge [sflag:s12], $0x1900  }
0x13: {  	[sflag:s12] =	ssyncset.done $0x0  }
0x14: {  	[sflag:s12] =	ssyncadd.s32 $0xFFFFE700  }
0x15: {  	[tilespmem:s15], [sflag:$0x1] =	stream.indirect.gather [hbm4b:s4+s14], $0x20, s3, s14, $0xb8;
	[tilespmem:$0x10100] =	vst v63  }
0x16: {  	_ = 	snop  }
0x17: {  	[tilespmem:s16], [sflag:$0x2] =	stream.indirect.gather [hbm4b:s4+s14], $0x20, s14, s14, $0xb8;
	[tilespmem:$0x10100] =	vst v63  }
0x18: {  	s24 =	simm.s32 $0x0;
	s25 =	simm.s32 $0x0  }
0x19: {  	[tilespmem:s18], [sflag:$0x3] =	stream.indirect.gather [hbm4b:s4+s14], $0x20, s17, s14, $0xb8;
	[tilespmem:$0x10100] =	vst v63  }
.LBB2_2:
0x1a: {  	s28 =	sand.u32 $0x3, s25  }
0x1b: {  	s1 =	sadd.s32 $0x1, s28  }
0x1c: {  	_ =	swait.ge [sflag:s1], $0x1000  }
0x1d: {  	p0 =	slt.u32 s25, $0x4;
	[sflag:s1] =	ssyncset.done $0x0  }
0x1e: {  	[sflag:s1] =	ssyncadd.s32 $0xFFFFF000;
	s1 =	sadd.s32 @!p0 $0x5, s28  }
0x1f: {  	_ =	swait.ge @!p0 [sflag:s1], $0x400  }
0x20: {  	[sflag:s1] =	ssyncset.done @!p0 $0x0  }
0x21: {  	[sflag:s1] =	ssyncadd.s32 @!p0 $0xFFFFFC00  }
0x22: {  	_ =	swait.ge @!p0 [sflag:s1], $0x400  }
0x23: {  	[sflag:s1] =	ssyncset.done @!p0 $0x0  }
0x24: {  	[sflag:s1] =	ssyncadd.s32 @!p0 $0xFFFFFC00  }
0x25: {  	_ =	swait.ge @!p0 [sflag:s1], $0x400  }
0x26: {  	[sflag:s1] =	ssyncset.done @!p0 $0x0  }
0x27: {  	[sflag:s1] =	ssyncadd.s32 @!p0 $0xFFFFFC00  }
0x28: {  	_ =	swait.ge @!p0 [sflag:s1], $0x400  }
0x29: {  	s26 =	sand.u32 $0x3, s24;
	s29 =	sadd.s32 s6, s25;
	[sflag:s1] =	ssyncset.done @!p0 $0x0  }
0x2a: {  	s26 =	sshll.u32 s26, $0xC;
	[sflag:s1] =	ssyncadd.s32 @!p0 $0xFFFFFC00;
	s1 =	sand.u32 $0x3FE0, s29  }
0x2b: {  	s0 =	simm.s32 $0x0;
	s30 =	sadd.s32 $0x7D10, s26;
	v2 =	vld [tilespmem:s1+$0x6400]  }
0x2c: {  	v3 =	vmov s0;
	v4 =	vld [tilespmem:s30+$0xFFFFFFF0]  }
0x2d: {  	v5 =	vand.u32 $0x7F, v3  }
0x2e: {  	v6 =	vadd.s32 v0, v5  }
0x2f: {  	s0 =	smul.u32 $0x4400, s28;
	_ =	sdelay $0x1  }
0x30: {  	s26 =	sshrl.u32 s0, $0x2;
	v4 =	vadd.f32 v4, v2  }
0x31: {  	s31 =	sadd.s32 $0xBD00, s26  }
0x32: {  	v3 =	vld [tilespmem:s1+$0x6410];
	[tilespmem:v6+s31+$0x0] =	vst.idx.msk $0xffff, v4  }
0x33: {  	v6 =	vld [tilespmem:s30+$0x0];
	_ =	sdelay $0x1  }
0x34: {  	v4 =	vadd.s32 v1, v5;
	_ =	sdelay $0x2  }
0x35: {  	s1 =	simm.s32 $0x1;
	v5 =	vadd.f32 v6, v3  }
.LBB2_3:
0x36: {  	p0 =	sne.s32 s1, $0x7F  }
0x37: {  	s30 =	sadd.s32 $0x20, s30;
	s0 =	smov.u32 s1;
	s1 =	sadd.s32 $0x1, s1;
	[tilespmem:v4+s31+$0x0] =	vst.idx.msk $0xffff, v5  }
0x38: {  	v4 =	vmov s0;
	v5 =	vld [tilespmem:s30+$0xFFFFFFF0]  }
0x39: {  	v4 =	vand.u32 $0x7F, v4  }
0x3a: {  	v6 =	vadd.s32 v0, v4;
	_ =	sdelay $0x2  }
0x3b: {  	v5 =	vadd.f32 v5, v2;
	_ =	sdelay $0x1  }
0x3c: {  	[tilespmem:v6+s31+$0x0] =	vst.idx.msk $0xffff, v5  }
0x3d: {  	v5 =	vld [tilespmem:s30+$0x0]  }
.Ltmp0:
0x3e: {  	(pc) =	sbr.rel @p0 .LBB2_3-.Ltmp0, $2  }
0x3f: {  	v4 =	vadd.s32 v1, v4;
	_ =	sdelay $0x2  }
0x40: {  	v5 =	vadd.f32 v5, v3  }
0x41: {  	_ = 	snop  }
0x42: {  	s0 =	sshll.u32 s29, $0x9;
	s1 =	sshll.u32 s29, $0x7  }
0x43: {  	s0 =	sand.u32 $0xFFFC000, s0;
	s1 =	sand.u32 $0xF80, s1  }
0x44: {  	s29 =	sor.u32 s1, s0  }
0x45: {  	s28 =	sadd.s32 $0x5, s28;
	[tilespmem:v4+s31+$0x0] =	vst.idx.msk $0xffff, v5;
	s0 =	sadd.s32 s2, s29  }
0x46: {  	[hbm4b:s0+s3] =	stream.linear.scatter [tilespmem:s31], [sflag:s28], $0x80, $0x38;
	[tilespmem:$0x10100] =	vst v63  }
0x47: {  	s31 =	sadd.s32 $0xBD88, s26;
	s30 =	sadd.s32 $0x10, s0  }
0x48: {  	[hbm4b:s30+s3] =	stream.linear.scatter [tilespmem:s31], [sflag:s28], $0x80, $0x38;
	[tilespmem:$0x10100] =	vst v63  }
0x49: {  	s1 =	sadd.s32 $0xBE10, s26;
	s31 =	sadd.s32 $0x20, s0  }
0x4a: {  	[hbm4b:s31+s3] =	stream.linear.scatter [tilespmem:s1], [sflag:s28], $0x80, $0x38;
	[tilespmem:$0x10100] =	vst v63  }
0x4b: {  	s1 =	sadd.s32 $0xBE98, s26;
	s31 =	sadd.s32 $0x30, s0  }
0x4c: {  	[hbm4b:s31+s3] =	stream.linear.scatter [tilespmem:s1], [sflag:s28], $0x80, $0x38;
	[tilespmem:$0x10100] =	vst v63  }
0x4d: {  	s1 =	sadd.s32 $0xBF20, s26;
	s31 =	sadd.s32 $0x40, s0  }
0x4e: {  	[hbm4b:s31+s3] =	stream.linear.scatter [tilespmem:s1], [sflag:s28], $0x80, $0x38;
	[tilespmem:$0x10100] =	vst v63  }
0x4f: {  	s1 =	sadd.s32 $0xBFA8, s26;
	s31 =	sadd.s32 $0x50, s0  }
0x50: {  	[hbm4b:s31+s3] =	stream.linear.scatter [tilespmem:s1], [sflag:s28], $0x80, $0x38;
	[tilespmem:$0x10100] =	vst v63  }
0x51: {  	s1 =	sadd.s32 $0xC030, s26;
	s31 =	sadd.s32 $0x60, s0  }
0x52: {  	[hbm4b:s31+s3] =	stream.linear.scatter [tilespmem:s1], [sflag:s28], $0x80, $0x38;
	[tilespmem:$0x10100] =	vst v63  }
0x53: {  	s0 =	sadd.s32 $0x70, s0;
	s31 =	sadd.s32 $0xC0B8, s26  }
0x54: {  	[hbm4b:s0+s3] =	stream.linear.scatter [tilespmem:s31], [sflag:s28], $0x80, $0x38;
	[tilespmem:$0x10100] =	vst v63  }
0x55: {  	s30 =	sadd.s32 $0xC140, s26;
	s0 =	sadd.s32 s29, s8  }
0x56: {  	[hbm4b:s0+s3] =	stream.linear.scatter [tilespmem:s30], [sflag:s28], $0x80, $0x38;
	[tilespmem:$0x10100] =	vst v63  }
0x57: {  	s1 =	sadd.s32 $0xC1C8, s26;
	s31 =	sadd.s32 $0x10, s0  }
0x58: {  	[hbm4b:s31+s3] =	stream.linear.scatter [tilespmem:s1], [sflag:s28], $0x80, $0x38;
	[tilespmem:$0x10100] =	vst v63  }
0x59: {  	s1 =	sadd.s32 $0xC250, s26;
	s31 =	sadd.s32 $0x20, s0  }
0x5a: {  	[hbm4b:s31+s3] =	stream.linear.scatter [tilespmem:s1], [sflag:s28], $0x80, $0x38;
	[tilespmem:$0x10100] =	vst v63  }
0x5b: {  	s1 =	sadd.s32 $0xC2D8, s26;
	s31 =	sadd.s32 $0x30, s0  }
0x5c: {  	[hbm4b:s31+s3] =	stream.linear.scatter [tilespmem:s1], [sflag:s28], $0x80, $0x38;
	[tilespmem:$0x10100] =	vst v63  }
0x5d: {  	s1 =	sadd.s32 $0xC360, s26;
	s31 =	sadd.s32 $0x40, s0  }
0x5e: {  	[hbm4b:s31+s3] =	stream.linear.scatter [tilespmem:s1], [sflag:s28], $0x80, $0x38;
	[tilespmem:$0x10100] =	vst v63  }
0x5f: {  	s1 =	sadd.s32 $0xC3E8, s26;
	s31 =	sadd.s32 $0x50, s0  }
0x60: {  	[hbm4b:s31+s3] =	stream.linear.scatter [tilespmem:s1], [sflag:s28], $0x80, $0x38;
	[tilespmem:$0x10100] =	vst v63  }
0x61: {  	s1 =	sadd.s32 $0xC470, s26;
	s31 =	sadd.s32 $0x60, s0  }
0x62: {  	[hbm4b:s31+s3] =	stream.linear.scatter [tilespmem:s1], [sflag:s28], $0x80, $0x38;
	[tilespmem:$0x10100] =	vst v63  }
0x63: {  	s0 =	sadd.s32 $0x70, s0;
	s31 =	sadd.s32 $0xC4F8, s26  }
0x64: {  	[hbm4b:s0+s3] =	stream.linear.scatter [tilespmem:s31], [sflag:s28], $0x80, $0x38;
	[tilespmem:$0x10100] =	vst v63  }
0x65: {  	s30 =	sadd.s32 $0xC580, s26;
	s0 =	sadd.s32 s29, s9  }
0x66: {  	[hbm4b:s0+s3] =	stream.linear.scatter [tilespmem:s30], [sflag:s28], $0x80, $0x38;
	[tilespmem:$0x10100] =	vst v63  }
0x67: {  	s1 =	sadd.s32 $0xC608, s26;
	s31 =	sadd.s32 $0x10, s0  }
0x68: {  	[hbm4b:s31+s3] =	stream.linear.scatter [tilespmem:s1], [sflag:s28], $0x80, $0x38;
	[tilespmem:$0x10100] =	vst v63  }
0x69: {  	s1 =	sadd.s32 $0xC690, s26;
	s31 =	sadd.s32 $0x20, s0  }
0x6a: {  	[hbm4b:s31+s3] =	stream.linear.scatter [tilespmem:s1], [sflag:s28], $0x80, $0x38;
	[tilespmem:$0x10100] =	vst v63  }
0x6b: {  	s1 =	sadd.s32 $0xC718, s26;
	s31 =	sadd.s32 $0x30, s0  }
0x6c: {  	[hbm4b:s31+s3] =	stream.linear.scatter [tilespmem:s1], [sflag:s28], $0x80, $0x38;
	[tilespmem:$0x10100] =	vst v63  }
0x6d: {  	s1 =	sadd.s32 $0xC7A0, s26;
	s31 =	sadd.s32 $0x40, s0  }
0x6e: {  	[hbm4b:s31+s3] =	stream.linear.scatter [tilespmem:s1], [sflag:s28], $0x80, $0x38;
	[tilespmem:$0x10100] =	vst v63  }
0x6f: {  	s1 =	sadd.s32 $0xC828, s26;
	s31 =	sadd.s32 $0x50, s0  }
0x70: {  	[hbm4b:s31+s3] =	stream.linear.scatter [tilespmem:s1], [sflag:s28], $0x80, $0x38;
	[tilespmem:$0x10100] =	vst v63  }
0x71: {  	s1 =	sadd.s32 $0xC8B0, s26;
	s31 =	sadd.s32 $0x60, s0  }
0x72: {  	[hbm4b:s31+s3] =	stream.linear.scatter [tilespmem:s1], [sflag:s28], $0x80, $0x38;
	[tilespmem:$0x10100] =	vst v63  }
0x73: {  	s0 =	sadd.s32 $0x70, s0;
	s31 =	sadd.s32 $0xC938, s26  }
0x74: {  	[hbm4b:s0+s3] =	stream.linear.scatter [tilespmem:s31], [sflag:s28], $0x80, $0x38;
	[tilespmem:$0x10100] =	vst v63  }
0x75: {  	s0 =	sadd.s32 s29, s10;
	s29 =	sadd.s32 $0xC9C0, s26  }
0x76: {  	[hbm4b:s0+s3] =	stream.linear.scatter [tilespmem:s29], [sflag:s28], $0x80, $0x38;
	[tilespmem:$0x10100] =	vst v63  }
0x77: {  	s30 =	sadd.s32 $0xCA48, s26;
	s29 =	sadd.s32 $0x10, s0  }
0x78: {  	[hbm4b:s29+s3] =	stream.linear.scatter [tilespmem:s30], [sflag:s28], $0x80, $0x38;
	[tilespmem:$0x10100] =	vst v63  }
0x79: {  	s31 =	sadd.s32 $0xCAD0, s26;
	s30 =	sadd.s32 $0x20, s0  }
0x7a: {  	[hbm4b:s30+s3] =	stream.linear.scatter [tilespmem:s31], [sflag:s28], $0x80, $0x38;
	[tilespmem:$0x10100] =	vst v63  }
0x7b: {  	s31 =	sadd.s32 $0xCB58, s26;
	s30 =	sadd.s32 $0x30, s0  }
0x7c: {  	[hbm4b:s30+s3] =	stream.linear.scatter [tilespmem:s31], [sflag:s28], $0x80, $0x38;
	[tilespmem:$0x10100] =	vst v63  }
0x7d: {  	s31 =	sadd.s32 $0xCBE0, s26;
	s30 =	sadd.s32 $0x40, s0  }
0x7e: {  	[hbm4b:s30+s3] =	stream.linear.scatter [tilespmem:s31], [sflag:s28], $0x80, $0x38;
	[tilespmem:$0x10100] =	vst v63  }
0x7f: {  	s31 =	sadd.s32 $0xCC68, s26;
	s30 =	sadd.s32 $0x50, s0  }
0x80: {  	[hbm4b:s30+s3] =	stream.linear.scatter [tilespmem:s31], [sflag:s28], $0x80, $0x38;
	[tilespmem:$0x10100] =	vst v63  }
0x81: {  	s31 =	sadd.s32 $0xCCF0, s26;
	s30 =	sadd.s32 $0x60, s0  }
0x82: {  	[hbm4b:s30+s3] =	stream.linear.scatter [tilespmem:s31], [sflag:s28], $0x80, $0x38;
	[tilespmem:$0x10100] =	vst v63  }
0x83: {  	p0 =	sgt.u32 s25, $0xC4;
	s0 =	sadd.s32 $0x70, s0;
	s31 =	sadd.s32 $0xCD78, s26  }
0x84: {  	[hbm4b:s0+s3] =	stream.linear.scatter [tilespmem:s31], [sflag:s28], $0x80, $0x38;
	[tilespmem:$0x10100] =	vst v63  }
0x85: {  	s0 =	sadd.s32 @!p0 $0x3, s25  }
0x86: {  	s28 =	simm.s32 @!p0 $0x80;
	s1 =	sand.u32 @!p0 $0x3, s0  }
0x87: {  	s25 =	sadd.s32 $0x1, s25;
	s0 =	sshll.u32 @!p0 s0, $0x7;
	s26 =	sshll.u32 @!p0 s1, $0xC  }
0x88: {  	s0 =	sand.u32 @!p0 $0x3FFFFF80, s0;
	s1 =	sadd.s32 @!p0 $0x1, s1;
	s26 =	sadd.s32 @!p0 $0x7D00, s26  }
0x89: {  	[tilespmem:s26], [sflag:s1] =	stream.indirect.gather @!p0 [hbm4b:s4+s28], $0x20, s0, s28, $0xb8;
	[tilespmem:$0x10100] =	vst v63  }
0x8a: {  	p0 =	sne.s32 s25, $0xC8  }
.Ltmp1:
0x8b: {  	_ = 	snop;
	(pc) =	sbr.rel @p0 .LBB2_2-.Ltmp1, $2  }
0x8c: {  	_ =	sdelay $0x2  }
0x8d: {  	s24 =	sadd.s32 $0x1, s24  }
0x8e: {  	_ =	swait.ge [sflag:s19], $0x400  }
0x8f: {  	[sflag:s19] =	ssyncset.done $0x0  }
0x90: {  	[sflag:s19] =	ssyncadd.s32 $0xFFFFFC00  }
0x91: {  	_ =	swait.ge [sflag:s19], $0x400  }
0x92: {  	[sflag:s19] =	ssyncset.done $0x0  }
0x93: {  	[sflag:s19] =	ssyncadd.s32 $0xFFFFFC00  }
0x94: {  	_ =	swait.ge [sflag:s19], $0x400  }
0x95: {  	[sflag:s19] =	ssyncset.done $0x0  }
0x96: {  	[sflag:s19] =	ssyncadd.s32 $0xFFFFFC00  }
0x97: {  	_ =	swait.ge [sflag:s19], $0x400  }
0x98: {  	[sflag:s19] =	ssyncset.done $0x0  }
0x99: {  	[sflag:s19] =	ssyncadd.s32 $0xFFFFFC00  }
0x9a: {  	_ =	swait.ge [sflag:s20], $0x400  }
0x9b: {  	[sflag:s20] =	ssyncset.done $0x0  }
0x9c: {  	[sflag:s20] =	ssyncadd.s32 $0xFFFFFC00  }
0x9d: {  	_ =	swait.ge [sflag:s20], $0x400  }
0x9e: {  	[sflag:s20] =	ssyncset.done $0x0  }
0x9f: {  	[sflag:s20] =	ssyncadd.s32 $0xFFFFFC00  }
0xa0: {  	_ =	swait.ge [sflag:s20], $0x400  }
0xa1: {  	[sflag:s20] =	ssyncset.done $0x0  }
0xa2: {  	[sflag:s20] =	ssyncadd.s32 $0xFFFFFC00  }
0xa3: {  	_ =	swait.ge [sflag:s20], $0x400  }
0xa4: {  	[sflag:s20] =	ssyncset.done $0x0  }
0xa5: {  	[sflag:s20] =	ssyncadd.s32 $0xFFFFFC00  }
0xa6: {  	_ =	swait.ge [sflag:s21], $0x400  }
0xa7: {  	[sflag:s21] =	ssyncset.done $0x0  }
0xa8: {  	[sflag:s21] =	ssyncadd.s32 $0xFFFFFC00  }
0xa9: {  	_ =	swait.ge [sflag:s21], $0x400  }
0xaa: {  	[sflag:s21] =	ssyncset.done $0x0  }
0xab: {  	[sflag:s21] =	ssyncadd.s32 $0xFFFFFC00  }
0xac: {  	_ =	swait.ge [sflag:s21], $0x400  }
0xad: {  	[sflag:s21] =	ssyncset.done $0x0  }
0xae: {  	[sflag:s21] =	ssyncadd.s32 $0xFFFFFC00  }
0xaf: {  	_ =	swait.ge [sflag:s21], $0x400  }
0xb0: {  	[sflag:s21] =	ssyncset.done $0x0  }
0xb1: {  	[sflag:s21] =	ssyncadd.s32 $0xFFFFFC00  }
0xb2: {  	_ =	swait.ge [sflag:s22], $0x400  }
0xb3: {  	[sflag:s22] =	ssyncset.done $0x0  }
0xb4: {  	[sflag:s22] =	ssyncadd.s32 $0xFFFFFC00  }
0xb5: {  	_ =	swait.ge [sflag:s22], $0x400  }
0xb6: {  	[sflag:s22] =	ssyncset.done $0x0  }
0xb7: {  	s23 =	sadd.s32 $0x1, s23;
	[sflag:s22] =	ssyncadd.s32 $0xFFFFFC00  }
0xb8: {  	p0 =	sne.s32 s23, s11;
	_ =	swait.ge [sflag:s22], $0x400  }
.Ltmp2:
0xb9: {  	[sflag:s22] =	ssyncset.done $0x0;
	(pc) =	sbr.rel @p0 .LBB2_1-.Ltmp2, $4  }
0xba: {  	[sflag:s22] =	ssyncadd.s32 $0xFFFFFC00  }
0xbb: {  	_ =	swait.ge [sflag:s22], $0x400  }
0xbc: {  	[sflag:s22] =	ssyncset.done $0x0  }
0xbd: {  	[sflag:s22] =	ssyncadd.s32 $0xFFFFFC00  }
0xbe: {  	_ =	sfence.sel $0x180000  }
0xbf: {  	[bflag:$0x0] =	sbarrier.arrive $0xFFFF  }
0xc0: {  	_ =	strace $0x9000004A  }
0xc1: {  	s0 =	stileid.u32;
	[bflag:$0x2] =	sbarrier.arrive $0xFFFF  }
0xc2: {  	p0 =	sne.s32 s0, $0x0;
	s0 =	rddreg [dreg:$0x2]  }
0xc3: {  	s0 =	sadd.s32 @!p0 $0x100000, s0  }
0xc4: {  	[sflag:s0] =	ssyncadd.tile.s32 @!p0 $0x1;
	_ =	shalt  }
.Lfunc_end2:
_tile_overlayer_lowered:
.L_overlay_start_2:
0xc5: {  	(tag) =	ssettag $0x2  }
0xc6: {  	s0 =	rddreg [dreg:$0x0];
	s2 =	stileid.u32  }
0xc7: {  	s1 =	rddreg [dreg:$0x1];
	p0 =	sne.s32 s2, $0x0  }
0xc8: {  	s3 =	rddreg [dreg:$0x2];
	[bflag:$0x3] =	sbarrier.arrive $0xFFFF;
	s2 =	simm.s32 @!p0 $0x1C09  }
0xc9: {  	[timem:s3], [sflag:s2] =	dma.local @!p0 [hbm:s0], s1  }
0xca: {  	s0 =	simm.s32 @!p0 $0x9  }
0xcb: {  	_ =	swait.ge @!p0 [sflag:s0], s1  }
0xcc: {  	s1 =	ssub.s32 @!p0 $0x0, s1;
	[sflag:s0] =	ssyncset.done @!p0 $0x0  }
0xcd: {  	[sflag:s0] =	ssyncadd.s32 @!p0 s1  }
0xce: {  	[bflag:$0x3] =	sbarrier.arrive $0xFFFF  }
0xcf: {  	_ =	shalt  }

// kernel: sparse-core-data-format-call.cloned.1.call-start
scs
called_computation_lowered:
.L_overlay_start_0:
0x0: {  	s2 =	sld [smem:$0x3FD9]  }
0x1: {  	s3 =	sld [smem:$0x3FFE];
	_ =	sdelay $0x1  }
0x2: {  	s1 =	srdreg.scid  }
0x3: {  	s0 =	sand.u32 $0x1, s1  }
0x4: {  	s18 =	sshll.u32 s0, $0xA;
	s2 =	sadd.s32 s3, s2  }
0x5: {  	s2 =	sadd.s32 s2, s18  }
0x6: {  	[smem:$0x3FC5] =	sst s2  }
0x7: {  	_ = 	snop  }
0x8: {  	s2 =	sld [smem:$0x3FC8];
	(tm) =	ssettm $0x1  }
0x9: {  	s19 =	sld [smem:$0x3FFB];
	_ =	sdelay $0x3  }
0xa: {  	_ =	strace s19  }
0xb: {  	s3 =	sld [smem:$0x3FFC];
	_ =	sdelay $0x3  }
0xc: {  	_ =	strace s3  }
0xd: {  	s3 =	sld [smem:$0x3FFD];
	_ =	sdelay $0x3  }
0xe: {  	_ =	strace s3  }
0xf: {  	_ =	strace $0x8FFFFFFF  }
0x10: {  	s20 =	sld [smem:$0x3FDB];
	_ =	sdelay $0x1  }
0x11: {  	s4 =	simm.s32 $_scs_section_size  }
0x12: {  	s5 =	simm.s32 $_size__tile_overlayer_lowered;
	s6 =	simm.s32 $_tile_overlayer_lowered  }
0x13: {  	s23 =	simm.s32 $0x1BFF;
	s22 =	sshll.u32 s6, $0x1;
	s3 =	sadd.s32 s4, s20  }
0x14: {  	s7 =	simm.s32 $0x0;
	s21 =	sshll.u32 s5, $0x1;
	s5 =	sadd.s32 s22, s3  }
0x15: {  	[timem:s7], [sflag:s23] =	dma.local [hbm:s5], s21  }
0x16: {  	_ =	swait.ge [sflag:s23], s21  }
0x17: {  	s4 =	ssub.s32 $0x0, s21;
	[sflag:s23] =	ssyncset.done $0x0  }
0x18: {  	[sflag:s23] =	ssyncadd.s32 s4;
	_ =	sdelay $0x1  }
0x19: {  	s24 =	simm.s32 $0x1B8B  }
0x1a: {  	_ =	swait.ge [sflag:s24], $0x1  }
0x1b: {  	[sflag:s24] =	ssyncset.done $0x0  }
0x1c: {  	s26 =	simm.s32 $0x1B8E;
	s25 =	sld [smem:$0x3FFE];
	[sflag:s24] =	ssyncadd.s32 $0xFFFFFFFF  }
0x1d: {  	s27 =	simm.s32 $execute0_lowered;
	[smem:$0x3FD2] =	sst s26  }
0x1e: {  	s5 =	sshll.u32 s27, $0x1;
	_ =	strace $0x80000046;
	[dreg:$0x1] =	wrdreg $0xFFFFFFFF  }
0x1f: {  	s28 =	simm.s32 $_size_execute0_lowered;
	s3 =	sadd.s32 s3, s5;
	[dreg:$0x0] =	wrdreg $0x0  }
0x20: {  	s5 =	sshll.u32 s28, $0x1;
	[dreg:$0x2] =	wrdreg s3  }
0x21: {  	[dreg:$0x3] =	wrdreg s5  }
0x22: {  	[dreg:$0x4] =	wrdreg $0xC0  }
0x23: {  	_ =	task [dreg:s7], $0x5FFFF  }
0x24: {  	[dreg:$0x1] =	wrdreg $0xFFFFFFFF  }
0x25: {  	[dreg:$0x0] =	wrdreg $0x60  }
0x26: {  	[dreg:$0x2] =	wrdreg s2  }
0x27: {  	[dreg:$0x3] =	wrdreg s25  }
0x28: {  	[dreg:$0x4] =	wrdreg $0x9  }
0x29: {  	_ =	task.clear_ibuf [dreg:s7], $0x5FFFF;
	_ =	strace $0x90000046  }
0x2a: {  	s29 =	simm.s32 $0x9;
	_ =	strace $0x80000048  }
0x2b: {  	_ =	swait.ge [sflag:s29], $0x1  }
0x2c: {  	[sflag:s29] =	ssyncadd.s32 $0xFFFFFFFF  }
0x2d: {  	_ =	strace $0x90000048  }
0x2e: {  	_ =	sfence  }
0x2f: {  	s30 =	sld [smem:$0x0];
	_ =	sdelay $0x2  }
0x30: {  	s31 =	sshll.u32 s1, $0xD;
	s1 =	sshrl.u32 s1, $0x2  }
0x31: {  	s3 =	sand.u32 $0x4000, s31;
	s1 =	sadd.s32 s1, s30  }
0x32: {  	s0 =	sor.u32 s3, s0;
	s1 =	sshll.u32 s1, $0x11  }
0x33: {  	s0 =	sor.u32 s1, s0  }
0x34: {  	s0 =	sadd.s32 $0x8F2B, s0  }
0x35: {  	[sflag:s0] =	ssyncadd.remote.s32 $0x1  }
0x36: {  	_ =	sfence.sel $0xFFFF  }
0x37: {  	[dreg:$0x0] =	wrdreg $0xFFFFFFFF;
	(pc) =	sbr.abs _section_cstart, $3  }
0x38: {  	[dreg:$0x1] =	wrdreg $0xFFFFFFFF  }
0x39: {  	_ =	task.clear_ibuf [dreg:s7], $0x2FFFF;
	_ =	strace $0x9FFFFFFF  }
0x3a: {  	(tm) =	ssettm $0x7FFFFFFF  }
0x3b: {  	_ =	shalt  }
tec
execute0_lowered:
.L_overlay_start_1:
0x0: {  	(tag) =	ssettag $0x1  }
0x1: {  	s0 =	srdreg.scid;
	s2 =	rddreg [dreg:$0x0]  }
0x2: {  	s5 =	rddreg [dreg:$0x1];
	s1 =	stileid.u32  }
0x3: {  	s4 =	simm.s32 $0x1;
	s6 =	simm.s32 $0x2;
	s15 =	simm.s32 $0x0  }
0x4: {  	p0 =	por $0x0, $0x0;
	s8 =	simm.s32 $0x80;
	s0 =	sshll.u32 s0, $0x4  }
0x5: {  	s14 =	simm.s32 $0x0;
	s9 =	simm.s32 $0x0;
	s3 =	sand.u32 $0x10, s0  }
.Ltmp0:
0x6: {  	s10 =	simm.s32 $0x0;
	s3 =	sor.u32 s1, s3;
	(pc) =	sbr.rel .LBB1_1-.Ltmp0, $4  }
0x7: {  	s0 =	rddreg [dreg:$0x2];
	_ =	strace $0x80000047;
	s3 =	sshll.u32 s3, $0x7  }
0x8: {  	s12 =	simm.s32 $0x0;
	[sflag:s4] =	ssyncpa.u1 $0x0;
	s7 =	ssub.s32 $0xF4200, s3  }
0x9: {  	s13 =	simm.s32 $0x0;
	[sflag:s6] =	ssyncpa.u1 $0x0;
	s6 =	sshrl.u32 s7, $0xC  }
0xa: {  	s5 =	sadd.s32 $0xC00, s5;
	s11 =	smov.u32 s3;
	s7 =	sadd.s32 $0x2, s6  }
.LBB1_5:
0xb: {  	p1 =	slt.u32 s13, $0x2  }
0xc: {  	s17 =	smov.u32 s15;
	p2 =	sgt.s32 @!p1 s15, $0xF41C0;
	s16 =	sshra.s32 @!p1 s15, $0x1F  }
0xd: {  	p3 =	sgt.s32 @!p1 s14, $0x60;
	s18 =	sshra.s32 @!p1 s14, $0x1F;
	p2 =	por !p2, p1  }
0xe: {  	s15 =	sand.u32 @!p1 s16, s15;
	p3 =	por !p3, p1;
	s16 =	smov.u32 s14  }
0xf: {  	s14 =	sand.u32 @!p1 s18, s14;
	s17 =	simm.s32 @p2 $0xF41C0;
	s16 =	simm.s32 @p3 $0x60  }
0x10: {  	s15 =	ssub.s32 @!p1 s17, s15;
	s14 =	ssub.s32 @!p1 s16, s14  }
0x11: {  	s18 =	smov.u32 s12;
	s16 =	sadd.s32 @!p1 $0xFFF0BE40, s15;
	s17 =	sadd.s32 @!p1 $0xFFFFFFA0, s14  }
0x12: {  	s15 =	ssub.s32 @!p1 $0xF4240, s15;
	p2 =	sgt.s32 @!p1 s16, $0x7F;
	p3 =	sgt.s32 @!p1 s17, $0x1F  }
0x13: {  	s14 =	ssub.s32 @!p1 $0x80, s14;
	p2 =	por !p2, p1;
	p3 =	por !p3, p1  }
0x14: {  	s16 =	sadd.s32 $0x1000, s11;
	s15 =	simm.s32 @!p2 $0x0;
	s14 =	simm.s32 @!p3 $0x0  }
0x15: {  	p2 =	sgt.s32 s16, $0xF423F;
	s14 =	smul.u32 @!p1 s14, s15;
	s15 =	sadd.s32 $0x20, s12  }
0x16: {  	s18 =	smov.u32 @p2 s15  }
0x17: {  	s16 =	smov.u32 @p2 s3;
	p2 =	sgt.s32 s18, $0x1F  }
0x18: {  	s18 =	simm.s32 @p2 $0x0;
	p2 =	sne.s32 s13, s7  }
.Ltmp1:
0x19: {  	p0 =	por !p0, !p0;
	s17 =	simm.s32 @!p1 $0x2;
	(pc) =	sbr.rel @!p2 .LBB1_6-.Ltmp1, $4  }
0x1a: {  	s15 =	smov.u32 s9;
	s9 =	smov.u32 s11;
	s14 =	sand.u32 @!p1 $0x3FFFFFFF, s14  }
0x1b: {  	s11 =	smov.u32 s16;
	_ =	swait.ge @!p1 [sflag:s17], s14;
	s19 =	ssub.s32 @!p1 $0x0, s14  }
0x1c: {  	s14 =	smov.u32 s10;
	s13 =	sadd.s32 $0x1, s13;
	[sflag:s17] =	ssyncset.done @!p1 $0x0  }
0x1d: {  	s10 =	smov.u32 s12;
	s12 =	smov.u32 s18;
	[sflag:s17] =	ssyncadd.s32 @!p1 s19  }
.LBB1_1:
0x1e: {  	p1 =	sgt.u32 s13, s6  }
0x1f: {  	s16 =	sshrl.u32 @!p1 s12, $0x3  }
0x20: {  	s17 =	sshll.u32 @!p1 s11, $0x3;
	s16 =	smul.u32 @!p1 $0x7A1400, s16  }
0x21: {  	s18 =	sshll.u32 @!p1 s12, $0x7;
	s17 =	sand.u32 @!p1 $0xFFFFFC00, s17  }
0x22: {  	s16 =	sadd.s32 @!p1 s16, s17;
	s17 =	sand.u32 @!p1 $0x380, s18  }
0x23: {  	s18 =	sand.u32 @!p1 $0x7F, s11;
	s16 =	sor.u32 @!p1 s17, s16  }
0x24: {  	s17 =	sor.u32 @!p1 s18, s16  }
0x25: {  	s18 =	smulhi.u32 @!p1 $0x218D6287, s17;
	_ =	sdelay $0x1  }
0x26: {  	s16 =	smulhi.u32 @!p1 $0x218D6287, s16;
	s18 =	sshrl.u32 @!p1 s18, $0x11  }
0x27: {  	s18 =	smul.u32 @!p1 $0xF4280, s18  }
0x28: {  	s19 =	sxor.u32 @!p1 $0xFFFFFFFF, s13;
	s16 =	sshrl.u32 @!p1 s16, $0x11  }
0x29: {  	s19 =	sshll.u32 @!p1 s19, $0xC;
	s16 =	sand.u32 @!p1 $0x1F, s16;
	s17 =	ssub.s32 @!p1 s17, s18  }
0x2a: {  	s16 =	smul.u32 @!p1 $0x1E850, s16;
	s18 =	sshrl.u32 @!p1 s17, $0x3;
	s17 =	sand.u32 @!p1 $0x7, s17  }
0x2b: {  	s19 =	sand.u32 @!p1 $0x1000, s19;
	s18 =	sadd.s32 @!p1 s2, s18;
	s17 =	sshll.u32 @!p1 s17, $0x12  }
0x2c: {  	s16 =	sadd.s32 @!p1 s16, s18;
	s17 =	sor.u32 @!p1 $0x400, s17;
	s18 =	simm.s32 @!p1 $0x7A1400  }
0x2d: {  	[tilespmem:s19], [sflag:$0x1] =	stream.strided.gather @!p1 [hbm4b:s16+s17], $0x1000, s18, s17, $0x38;
	[tilespmem:$0x4100] =	vst v63  }
0x2e: {  	p1 =	seq.s32 s13, $0x0  }
0x2f: {  	p2 =	sge.u32 @!p1 s13, s7  }
0x30: {  	p1 =	por p1, p2  }
.Ltmp2:
0x31: {  	_ = 	snop;
	(pc) =	sbr.rel @p1 .LBB1_5-.Ltmp2, $1  }
0x32: {  	_ =	sdelay $0x3  }
0x33: {  	s16 =	simm.s32 $0x1  }
0x34: {  	_ =	swait.ge [sflag:s4], $0x1000;
	s16 =	simm.s32 @!p0 $0x0  }
0x35: {  	[sflag:s4] =	ssyncset.done $0x0;
	s17 =	sshll.u32 s16, $0xC  }
0x36: {  	[sflag:s4] =	ssyncadd.s32 $0xFFFFF000;
	s17 =	sor.u32 $0x40, s17  }
0x37: {  	s16 =	smul.u32 $0x4200, s16;
	v0 =	vld [tilespmem:s17+$0x30]  }
0x38: {  	v1 =	vld [tilespmem:s17+$0xFFFFFFD0]  }
0x39: {  	s16 =	sshrl.u32 s16, $0x2;
	v5 =	vld [tilespmem:s17+$0xFFFFFFE0]  }
0x3a: {  	v6 =	vld [tilespmem:s17+$0xFFFFFFF0];
	s19 =	sor.u32 $0x2000, s16  }
0x3b: {  	s31 =	sand.u32 $0x1, s13;
	v4 =	vld [tilespmem:s17+$0x0];
	s18 =	sadd.s32 $0x0, s19  }
0x3c: {  	v3 =	vld [tilespmem:s17+$0x10];
	s16 =	smul.u32 $0x4200, s31;
	[tilespmem:s18+$0xE70 ss:$0x21] =	vst.msk $0xffff, v0  }
0x3d: {  	v2 =	vld [tilespmem:s17+$0x20];
	[tilespmem:s18+$0x210 ss:$0x21] =	vst.msk $0xffff, v1  }
0x3e: {  	s16 =	sshrl.u32 s16, $0x2;
	v1 =	vld [tilespmem:s17+$0xFFFFFFC0];
	[tilespmem:s18+$0x420 ss:$0x21] =	vst.msk $0xffff, v5;
	s17 =	sadd.s32 $0x80, s17  }
0x3f: {  	s20 =	simm.s32 $0x4;
	s21 =	simm.s32 $0x8;
	s16 =	sor.u32 $0x2000, s16;
	[tilespmem:s18+$0x630 ss:$0x21] =	vst.msk $0xffff, v6;
	v0 =	vld [tilespmem:s17+$0x30]  }
.LBB1_3:
0x40: {  	p1 =	sne.s32 s21, $0x7C;
	v5 =	vld [tilespmem:s17+$0xFFFFFFD0];
	[tilespmem:s18+$0x840 ss:$0x21] =	vst.msk $0xffff, v4  }
0x41: {  	v6 =	vld [tilespmem:s17+$0xFFFFFFE0];
	[tilespmem:s18+$0xA50 ss:$0x21] =	vst.msk $0xffff, v3  }
0x42: {  	s22 =	sshra.s32 s20, $0x2;
	s20 =	smov.u32 s21;
	v7 =	vld [tilespmem:s17+$0xFFFFFFF0];
	[tilespmem:s18+$0xC60 ss:$0x21] =	vst.msk $0xffff, v2  }
.Ltmp3:
0x43: {  	v4 =	vld [tilespmem:s17+$0x0];
	[tilespmem:s18+$0x0 ss:$0x21] =	vst.msk $0xffff, v1;
	s18 =	sadd.s32 s22, s19;
	(pc) =	sbr.rel @p1 .LBB1_3-.Ltmp3, $4  }
0x44: {  	v3 =	vld [tilespmem:s17+$0x10];
	[tilespmem:s18+$0xE70 ss:$0x21] =	vst.msk $0xffff, v0  }
0x45: {  	[tilespmem:s18+$0x210 ss:$0x21] =	vst.msk $0xffff, v5;
	v2 =	vld [tilespmem:s17+$0x20]  }
0x46: {  	v1 =	vld [tilespmem:s17+$0xFFFFFFC0];
	[tilespmem:s18+$0x420 ss:$0x21] =	vst.msk $0xffff, v6;
	s17 =	sadd.s32 $0x80, s17  }
0x47: {  	s21 =	sadd.s32 $0x4, s21;
	v0 =	vld [tilespmem:s17+$0x30];
	[tilespmem:s18+$0x630 ss:$0x21] =	vst.msk $0xffff, v7  }
0x48: {  	s21 =	sshll.u32 s9, $0x7;
	s22 =	sshll.u32 s10, $0x3;
	s20 =	sshra.s32 s20, $0x2  }
0x49: {  	p1 =	sgt.s32 s9, $0xF41C0;
	s30 =	sshra.s32 s9, $0x1F;
	s25 =	sshra.s32 s10, $0x1F  }
0x4a: {  	v5 =	vld [tilespmem:s17+$0xFFFFFFD0];
	s28 =	sshrl.u32 s10, $0x3;
	s23 =	sand.u32 $0xFFFFFC00, s21;
	s22 =	sand.u32 $0xFFFFFC00, s22  }
0x4b: {  	[tilespmem:s18+$0x840 ss:$0x21] =	vst.msk $0xffff, v4;
	v58 =	vld [tilespmem:s17+$0xFFFFFFE0];
	s21 =	sand.u32 $0x380, s21;
	s19 =	sadd.s32 s20, s19;
	s22 =	sadd.s32 s22, s23  }
0x4c: {  	v59 =	vld [tilespmem:s17+$0xFFFFFFF0];
	[tilespmem:s18+$0xA50 ss:$0x21] =	vst.msk $0xffff, v3;
	s29 =	sor.u32 s21, s22;
	s21 =	smov.u32 s9;
	s22 =	sand.u32 s30, s9  }
0x4d: {  	v60 =	vld [tilespmem:s17+$0x0];
	[tilespmem:s18+$0xC60 ss:$0x21] =	vst.msk $0xffff, v2;
	s30 =	sand.u32 $0x7, s10;
	s20 =	sshrl.u32 s29, $0x7;
	s21 =	simm.s32 @!p1 $0xF41C0  }
0x4e: {  	v61 =	vld [tilespmem:s17+$0x10];
	[tilespmem:s18+$0x0 ss:$0x21] =	vst.msk $0xffff, v1;
	p1 =	sgt.s32 s10, $0x60;
	s24 =	ssub.s32 s21, s22;
	s21 =	smov.u32 s10  }
0x4f: {  	v62 =	vld [tilespmem:s17+$0x20];
	[tilespmem:s19+$0xE70 ss:$0x21] =	vst.msk $0xffff, v0;
	s31 =	smulhi.u32 $0x218DEF5, s20;
	s22 =	sand.u32 s25, s10;
	s21 =	simm.s32 @!p1 $0x60  }
0x50: {  	v63 =	vld [tilespmem:s17+$0xFFFFFFC0];
	[tilespmem:s19+$0x210 ss:$0x21] =	vst.msk $0xffff, v5;
	s26 =	sadd.s32 $0xFFF0BE40, s24;
	s17 =	ssub.s32 $0xF4240, s24;
	s21 =	ssub.s32 s21, s22  }
0x51: {  	[tilespmem:s19+$0x420 ss:$0x21] =	vst.msk $0xffff, v58;
	s23 =	sshrl.u32 s31, $0xD;
	p1 =	sgt.s32 s26, $0x7F;
	s27 =	sadd.s32 $0xFFFFFFA0, s21  }
0x52: {  	[tilespmem:s19+$0x630 ss:$0x21] =	vst.msk $0xffff, v59;
	s23 =	smul.u32 $0xF4240, s23;
	s18 =	ssub.s32 $0x80, s21;
	p2 =	sgt.s32 s27, $0x1F  }
.Ltmp4:
0x53: {  	[tilespmem:s19+$0x840 ss:$0x21] =	vst.msk $0xffff, v60;
	s17 =	simm.s32 @p1 $0x0;
	s18 =	simm.s32 @p2 $0x0;
	(pc) =	sbr.rel .LBB1_5-.Ltmp4, $4  }
0x54: {  	s29 =	sand.u32 $0xF, s28;
	[tilespmem:s19+$0xA50 ss:$0x21] =	vst.msk $0xffff, v61;
	s20 =	ssub.s32 s20, s23;
	s17 =	smul.u32 s18, s17  }
0x55: {  	[tilespmem:s19+$0xC60 ss:$0x21] =	vst.msk $0xffff, v62;
	s21 =	sshll.u32 s30, $0x12;
	s20 =	sshll.u32 s20, $0x4;
	s18 =	sadd.s32 s5, s29  }
0x56: {  	[tilespmem:s19+$0x0 ss:$0x21] =	vst.msk $0xffff, v63;
	s31 =	sor.u32 $0x20, s21;
	s18 =	sadd.s32 s20, s18;
	s17 =	sand.u32 $0x3FFFFFFF, s17  }
0x57: {  	[hbm4b:s18+s31] =	stream.strided.scatter [tilespmem:s16], [sflag:$0x2], s17, s8, s31, $0x10;
	[tilespmem:$0x4100] =	vst v63  }
.LBB1_6:
0x58: {  	_ =	sfence.sel $0x180000  }
0x59: {  	s2 =	simm.s32 $0x1;
	[bflag:$0x0] =	sbarrier.arrive $0xFFFF  }
0x5a: {  	s31 =	simm.s32 $0x2;
	[sflag:s2] =	ssyncpa.u1 $0x1  }
0x5b: {  	[sflag:s31] =	ssyncpa.u1 $0x1  }
0x5c: {  	p0 =	sne.s32 s1, $0x0;
	_ =	strace $0x90000047  }
0x5d: {  	s0 =	sadd.s32 @!p0 $0x100000, s0;
	[bflag:$0x2] =	sbarrier.arrive $0xFFFF  }
0x5e: {  	[sflag:s0] =	ssyncadd.tile.s32 @!p0 $0x1;
	_ =	shalt  }
.Lfunc_end1:
_tile_overlayer_lowered:
.L_overlay_start_2:
0x5f: {  	(tag) =	ssettag $0x2  }
0x60: {  	s0 =	rddreg [dreg:$0x0];
	s2 =	stileid.u32  }
0x61: {  	s1 =	rddreg [dreg:$0x1];
	p0 =	sne.s32 s2, $0x0  }
0x62: {  	s3 =	rddreg [dreg:$0x2];
	[bflag:$0x3] =	sbarrier.arrive $0xFFFF;
	s2 =	simm.s32 @!p0 $0x1C01  }
0x63: {  	[timem:s3], [sflag:s2] =	dma.local @!p0 [hbm:s0], s1  }
0x64: {  	s0 =	simm.s32 @!p0 $0x1  }
0x65: {  	_ =	swait.ge @!p0 [sflag:s0], s1  }
0x66: {  	s1 =	ssub.s32 @!p0 $0x0, s1;
	[sflag:s0] =	ssyncset.done @!p0 $0x0  }
0x67: {  	[sflag:s0] =	ssyncadd.s32 @!p0 s1  }
0x68: {  	[bflag:$0x3] =	sbarrier.arrive $0xFFFF  }
0x69: {  	_ =	shalt  }

</sc_bundles>
